<compile_context>
chip_gen: v7x
topology: tpu7x:2x2x1
jax: 0.10.2.dev20260603
libtpu: 0.0.44.dev20260713+nightly
codegen_flags: <defaults>
</compile_context>

<pallas_src>
import functools

import jax
import jax.numpy as jnp
from jax import lax
from jax.experimental import pallas as pl
from jax.experimental.pallas import tpu as pltpu, tpu_sc as plsc

_ROWS = 16384
_IN_COLS = 6400
_NUM_SLICES = 50
_WIDTH = 64
_OUT_COLS = _NUM_SLICES * _WIDTH

_NUM_TILES = 32
_ROWS_PER_TILE = _ROWS // _NUM_TILES
_LANES = 16
_R = 8
_CHUNKS = _ROWS_PER_TILE // _R


def _body(in_hbm, starts_hbm, out_hbm, sl_v, sl_s, in0, in1, ob, rs0, rs1,
          ws):
    wid = lax.axis_index("s") * 2 + lax.axis_index("c")
    r0 = wid * _ROWS_PER_TILE

    pltpu.sync_copy(starts_hbm, sl_v)
    for blk in range(4):
        vec = sl_v[pl.ds(blk * _LANES, _LANES)]
        for lane in range(_LANES):
            if blk * _LANES + lane < _NUM_SLICES:
                sl_s[blk * _LANES + lane] = vec[lane]

    inbufs = (in0, in1)
    rsems = (rs0, rs1)

    def read(c, b):
        return pltpu.make_async_copy(
            in_hbm.at[pl.ds(r0 + c * _R, _R), :], inbufs[b], rsems[b])

    def write(c):
        return pltpu.make_async_copy(
            ob, out_hbm.at[pl.ds(r0 + c * _R, _R), :], ws)

    read(0, 0).start()

    def compact(b):
        def j_body(j, carry):
            cst = pl.multiple_of(sl_s[j], _WIDTH)
            obase = pl.multiple_of(j * _WIDTH, _WIDTH)
            moves = [(r, k)
                     for r in range(_R)
                     for k in range(0, _WIDTH, _LANES)]
            depth = 8
            pending = []
            for mv in moves:
                r, k = mv
                val = inbufs[b][r, pl.ds(cst + k, _LANES)]
                pending.append((mv, val))
                if len(pending) > depth:
                    (pr, pk), pval = pending.pop(0)
                    ob[pr, pl.ds(obase + pk, _LANES)] = pval
            for (pr, pk), pval in pending:
                ob[pr, pl.ds(obase + pk, _LANES)] = pval
            return carry

        lax.fori_loop(0, _NUM_SLICES, j_body, 0)

    def chunk(co, _):
        for b in range(2):
            c = co * 2 + b

            @pl.when(c + 1 < _CHUNKS)
            def _():
                read(c + 1, 1 - b).start()

            read(c, b).wait()

            @pl.when(c >= 1)
            def _():
                write(c - 1).wait()

            compact(b)
            write(c).start()
        return 0

    lax.fori_loop(0, _CHUNKS // 2, chunk, 0)
    write(_CHUNKS - 1).wait()


@jax.jit
def _run(input_tensor, starts_padded):
    mesh = plsc.VectorSubcoreMesh(core_axis_name="c", subcore_axis_name="s")
    return pl.kernel(
        _body,
        out_type=jax.ShapeDtypeStruct((_ROWS, _OUT_COLS), jnp.float32),
        mesh=mesh,
        scratch_types=[
            pltpu.VMEM((64,), jnp.int32),
            pltpu.SMEM((64,), jnp.int32),
            pltpu.VMEM((_R, _IN_COLS), jnp.float32),
            pltpu.VMEM((_R, _IN_COLS), jnp.float32),
            pltpu.VMEM((_R, _OUT_COLS), jnp.float32),
            pltpu.SemaphoreType.DMA,
            pltpu.SemaphoreType.DMA,
            pltpu.SemaphoreType.DMA,
        ],
    )(input_tensor, starts_padded)


def kernel(input_tensor, slices):
    starts = slices[:, 0].astype(jnp.int32)
    starts_padded = jnp.pad(starts, (0, 64 - _NUM_SLICES))
    return _run(input_tensor, starts_padded)

# --- scband reference (transcript-rebuilt; emitter-appended) ---
"""Pipeline reference for scband-fuse-slice-cat-same-input-module-5720896438284 (READ-ONLY COPY).

The authoritative reference and input builder live on the scoring server;
editing this copy changes nothing except your own understanding.
"""

import jax, jax.numpy as jnp
import numpy as np


def setup_inputs(seed: int = 0) -> dict:
    key = jax.random.key(seed)
    rows, cols = 16384, 6400
    input_tensor = jax.random.normal(key, (rows, cols), dtype=jnp.float32)
    # 50 slices, each selecting a 64-wide field block, spaced 128 apart
    # (i.e. keep every other embedding field of a 100-field x 64-dim layout)
    slices = jnp.asarray(np.array([[i * 128, i * 128 + 64] for i in range(50)], dtype=np.int32))
    return {"input_tensor": input_tensor, "slices": slices}


def reference(input_tensor, slices):
    # Faithful translation of FuseSliceCatSameInputModule.forward:
    # expand (start, end) pairs into a flat column-index list, then do a
    # single fused gather along dim 1 (equivalent to cat of slices).
    if input_tensor.ndim != 2:
        raise NotImplementedError("input must be 2d")
    width = 64  # static slice width; setup_inputs always passes end - start == 64
    starts = slices[:, 0]
    ends = slices[:, 1]
    # offsets equal arange(width); (ends - starts - width) is identically 0
    # but keeps the dependence on the end column expressed in the trace.
    offsets = jnp.arange(width, dtype=jnp.int32) + (ends[:1] - starts[:1] - width)
    indices = (starts[:, None] + offsets[None, :]).reshape(-1).astype(jnp.int32)
    return jnp.take(input_tensor, indices, axis=1)

if __name__ == "__main__":
    import jax
    _d = setup_inputs()
    print(jax.jit(kernel)(*tuple(_d.values())))

</pallas_src>

<mosaic_0001>
#map = affine_map<(d0, d1) -> (0, 0)>
#map1 = affine_map<(d0, d1) -> (0)>
module attributes {stable_mosaic.version = 14 : i64} {
  func.func @_body(%arg0: i32, %arg1: i32, %arg2: memref<16384x6400xf32, #tpu.memory_space<hbm>>, %arg3: memref<64xi32, #tpu.memory_space<hbm>>, %arg4: memref<16384x3200xf32, #tpu.memory_space<hbm>>, %arg5: memref<64xi32, #tpu.memory_space<vmem>>, %arg6: memref<64xi32, #tpu.memory_space<smem>>, %arg7: memref<8x6400xf32, #tpu.memory_space<vmem>>, %arg8: memref<8x6400xf32, #tpu.memory_space<vmem>>, %arg9: memref<8x3200xf32, #tpu.memory_space<vmem>>, %arg10: memref<!tpu.dma_semaphore, #tpu.memory_space<semaphore_mem>>, %arg11: memref<!tpu.dma_semaphore, #tpu.memory_space<semaphore_mem>>, %arg12: memref<!tpu.dma_semaphore, #tpu.memory_space<semaphore_mem>>) attributes {dimension_semantics = [#tpu.dimension_semantics<core_parallel>, #tpu.dimension_semantics<subcore_parallel>], iteration_bounds = array<i64: 2, 16>, scalar_prefetch = 0 : i64, scratch_operands = 8 : i64, tpu.core_type = #tpu.core_type<sc_vector_subcore>, window_params = [{transform_indices = #map}, {transform_indices = #map1}, {transform_indices = #map}]} {
    %mul3A = arith.constant 2 : i32
    %mul3A_0 = arith.muli %arg1, %mul3A : i32
    %add3A = arith.addi %mul3A_0, %arg0 : i32
    %mul3A_1 = arith.constant 512 : i32
    %mul3A_2 = arith.muli %add3A, %mul3A_1 : i32
    "tpu.region"() ({
      %run_scoped3A = tpu.sem_alloc : memref<!tpu.dma_semaphore, #tpu.memory_space<semaphore_mem>>
      tpu.enqueue_dma source(%arg3 : memref<64xi32, #tpu.memory_space<hbm>>) target(%arg5 : memref<64xi32, #tpu.memory_space<vmem>>) target_semaphore(%run_scoped3A : memref<!tpu.dma_semaphore, #tpu.memory_space<semaphore_mem>>)
      tpu.wait_dma2 semaphore(%run_scoped3A : memref<!tpu.dma_semaphore, #tpu.memory_space<semaphore_mem>>) src(%arg3 : memref<64xi32, #tpu.memory_space<hbm>>) dst(%arg5 : memref<64xi32, #tpu.memory_space<vmem>>)
      tpu.yield
    }) : () -> ()
    %get3A = arith.constant 0 : index
    %get3A_3 = tpu.vector_load %arg5[%get3A] {strides = array<i32>} : memref<64xi32, #tpu.memory_space<vmem>>, vector<16xi32>,
    %get3A_4 = vector.shape_cast %get3A_3 : vector<16xi32> to vector<16xi32>
    %slice3A = vector.extract_strided_slice %get3A_4 {offsets = [0], sizes = [1], strides = [1]} : vector<16xi32> to vector<1xi32>
    %squeeze3A = vector.extract %slice3A[0] : i32 from vector<1xi32>
    %swap3A = arith.constant 0 : i32
    %swap3A_5 = arith.index_cast %swap3A : i32 to index
    %swap3A_6 = memref.load %arg6[%swap3A_5] : memref<64xi32, #tpu.memory_space<smem>>
    memref.store %squeeze3A, %arg6[%swap3A_5] : memref<64xi32, #tpu.memory_space<smem>>
    %slice3A_7 = vector.extract_strided_slice %get3A_4 {offsets = [1], sizes = [1], strides = [1]} : vector<16xi32> to vector<1xi32>
    %squeeze3A_8 = vector.extract %slice3A_7[0] : i32 from vector<1xi32>
    %swap3A_9 = arith.constant 1 : i32
    %swap3A_10 = arith.index_cast %swap3A_9 : i32 to index
    %swap3A_11 = memref.load %arg6[%swap3A_10] : memref<64xi32, #tpu.memory_space<smem>>
    memref.store %squeeze3A_8, %arg6[%swap3A_10] : memref<64xi32, #tpu.memory_space<smem>>
    %slice3A_12 = vector.extract_strided_slice %get3A_4 {offsets = [2], sizes = [1], strides = [1]} : vector<16xi32> to vector<1xi32>
    %squeeze3A_13 = vector.extract %slice3A_12[0] : i32 from vector<1xi32>
    %swap3A_14 = arith.constant 2 : i32
    %swap3A_15 = arith.index_cast %swap3A_14 : i32 to index
    %swap3A_16 = memref.load %arg6[%swap3A_15] : memref<64xi32, #tpu.memory_space<smem>>
    memref.store %squeeze3A_13, %arg6[%swap3A_15] : memref<64xi32, #tpu.memory_space<smem>>
    %slice3A_17 = vector.extract_strided_slice %get3A_4 {offsets = [3], sizes = [1], strides = [1]} : vector<16xi32> to vector<1xi32>
    %squeeze3A_18 = vector.extract %slice3A_17[0] : i32 from vector<1xi32>
    %swap3A_19 = arith.constant 3 : i32
    %swap3A_20 = arith.index_cast %swap3A_19 : i32 to index
    %swap3A_21 = memref.load %arg6[%swap3A_20] : memref<64xi32, #tpu.memory_space<smem>>
    memref.store %squeeze3A_18, %arg6[%swap3A_20] : memref<64xi32, #tpu.memory_space<smem>>
    %slice3A_22 = vector.extract_strided_slice %get3A_4 {offsets = [4], sizes = [1], strides = [1]} : vector<16xi32> to vector<1xi32>
    %squeeze3A_23 = vector.extract %slice3A_22[0] : i32 from vector<1xi32>
    %swap3A_24 = arith.constant 4 : i32
    %swap3A_25 = arith.index_cast %swap3A_24 : i32 to index
    %swap3A_26 = memref.load %arg6[%swap3A_25] : memref<64xi32, #tpu.memory_space<smem>>
    memref.store %squeeze3A_23, %arg6[%swap3A_25] : memref<64xi32, #tpu.memory_space<smem>>
    %slice3A_27 = vector.extract_strided_slice %get3A_4 {offsets = [5], sizes = [1], strides = [1]} : vector<16xi32> to vector<1xi32>
    %squeeze3A_28 = vector.extract %slice3A_27[0] : i32 from vector<1xi32>
    %swap3A_29 = arith.constant 5 : i32
    %swap3A_30 = arith.index_cast %swap3A_29 : i32 to index
    %swap3A_31 = memref.load %arg6[%swap3A_30] : memref<64xi32, #tpu.memory_space<smem>>
    memref.store %squeeze3A_28, %arg6[%swap3A_30] : memref<64xi32, #tpu.memory_space<smem>>
    %slice3A_32 = vector.extract_strided_slice %get3A_4 {offsets = [6], sizes = [1], strides = [1]} : vector<16xi32> to vector<1xi32>
    %squeeze3A_33 = vector.extract %slice3A_32[0] : i32 from vector<1xi32>
    %swap3A_34 = arith.constant 6 : i32
    %swap3A_35 = arith.index_cast %swap3A_34 : i32 to index
    %swap3A_36 = memref.load %arg6[%swap3A_35] : memref<64xi32, #tpu.memory_space<smem>>
    memref.store %squeeze3A_33, %arg6[%swap3A_35] : memref<64xi32, #tpu.memory_space<smem>>
    %slice3A_37 = vector.extract_strided_slice %get3A_4 {offsets = [7], sizes = [1], strides = [1]} : vector<16xi32> to vector<1xi32>
    %squeeze3A_38 = vector.extract %slice3A_37[0] : i32 from vector<1xi32>
    %swap3A_39 = arith.constant 7 : i32
    %swap3A_40 = arith.index_cast %swap3A_39 : i32 to index
    %swap3A_41 = memref.load %arg6[%swap3A_40] : memref<64xi32, #tpu.memory_space<smem>>
    memref.store %squeeze3A_38, %arg6[%swap3A_40] : memref<64xi32, #tpu.memory_space<smem>>
    %slice3A_42 = vector.extract_strided_slice %get3A_4 {offsets = [8], sizes = [1], strides = [1]} : vector<16xi32> to vector<1xi32>
    %squeeze3A_43 = vector.extract %slice3A_42[0] : i32 from vector<1xi32>
    %swap3A_44 = arith.constant 8 : i32
    %swap3A_45 = arith.index_cast %swap3A_44 : i32 to index
    %swap3A_46 = memref.load %arg6[%swap3A_45] : memref<64xi32, #tpu.memory_space<smem>>
    memref.store %squeeze3A_43, %arg6[%swap3A_45] : memref<64xi32, #tpu.memory_space<smem>>
    %slice3A_47 = vector.extract_strided_slice %get3A_4 {offsets = [9], sizes = [1], strides = [1]} : vector<16xi32> to vector<1xi32>
    %squeeze3A_48 = vector.extract %slice3A_47[0] : i32 from vector<1xi32>
    %swap3A_49 = arith.constant 9 : i32
    %swap3A_50 = arith.index_cast %swap3A_49 : i32 to index
    %swap3A_51 = memref.load %arg6[%swap3A_50] : memref<64xi32, #tpu.memory_space<smem>>
    memref.store %squeeze3A_48, %arg6[%swap3A_50] : memref<64xi32, #tpu.memory_space<smem>>
    %slice3A_52 = vector.extract_strided_slice %get3A_4 {offsets = [10], sizes = [1], strides = [1]} : vector<16xi32> to vector<1xi32>
    %squeeze3A_53 = vector.extract %slice3A_52[0] : i32 from vector<1xi32>
    %swap3A_54 = arith.constant 10 : i32
    %swap3A_55 = arith.index_cast %swap3A_54 : i32 to index
    %swap3A_56 = memref.load %arg6[%swap3A_55] : memref<64xi32, #tpu.memory_space<smem>>
    memref.store %squeeze3A_53, %arg6[%swap3A_55] : memref<64xi32, #tpu.memory_space<smem>>
    %slice3A_57 = vector.extract_strided_slice %get3A_4 {offsets = [11], sizes = [1], strides = [1]} : vector<16xi32> to vector<1xi32>
    %squeeze3A_58 = vector.extract %slice3A_57[0] : i32 from vector<1xi32>
    %swap3A_59 = arith.constant 11 : i32
    %swap3A_60 = arith.index_cast %swap3A_59 : i32 to index
    %swap3A_61 = memref.load %arg6[%swap3A_60] : memref<64xi32, #tpu.memory_space<smem>>
    memref.store %squeeze3A_58, %arg6[%swap3A_60] : memref<64xi32, #tpu.memory_space<smem>>
    %slice3A_62 = vector.extract_strided_slice %get3A_4 {offsets = [12], sizes = [1], strides = [1]} : vector<16xi32> to vector<1xi32>
    %squeeze3A_63 = vector.extract %slice3A_62[0] : i32 from vector<1xi32>
    %swap3A_64 = arith.constant 12 : i32
    %swap3A_65 = arith.index_cast %swap3A_64 : i32 to index
    %swap3A_66 = memref.load %arg6[%swap3A_65] : memref<64xi32, #tpu.memory_space<smem>>
    memref.store %squeeze3A_63, %arg6[%swap3A_65] : memref<64xi32, #tpu.memory_space<smem>>
    %slice3A_67 = vector.extract_strided_slice %get3A_4 {offsets = [13], sizes = [1], strides = [1]} : vector<16xi32> to vector<1xi32>
    %squeeze3A_68 = vector.extract %slice3A_67[0] : i32 from vector<1xi32>
    %swap3A_69 = arith.constant 13 : i32
    %swap3A_70 = arith.index_cast %swap3A_69 : i32 to index
    %swap3A_71 = memref.load %arg6[%swap3A_70] : memref<64xi32, #tpu.memory_space<smem>>
    memref.store %squeeze3A_68, %arg6[%swap3A_70] : memref<64xi32, #tpu.memory_space<smem>>
    %slice3A_72 = vector.extract_strided_slice %get3A_4 {offsets = [14], sizes = [1], strides = [1]} : vector<16xi32> to vector<1xi32>
    %squeeze3A_73 = vector.extract %slice3A_72[0] : i32 from vector<1xi32>
    %swap3A_74 = arith.constant 14 : i32
    %swap3A_75 = arith.index_cast %swap3A_74 : i32 to index
    %swap3A_76 = memref.load %arg6[%swap3A_75] : memref<64xi32, #tpu.memory_space<smem>>
    memref.store %squeeze3A_73, %arg6[%swap3A_75] : memref<64xi32, #tpu.memory_space<smem>>
    %slice3A_77 = vector.extract_strided_slice %get3A_4 {offsets = [15], sizes = [1], strides = [1]} : vector<16xi32> to vector<1xi32>
    %squeeze3A_78 = vector.extract %slice3A_77[0] : i32 from vector<1xi32>
    %swap3A_79 = arith.constant 15 : i32
    %swap3A_80 = arith.index_cast %swap3A_79 : i32 to index
    %swap3A_81 = memref.load %arg6[%swap3A_80] : memref<64xi32, #tpu.memory_space<smem>>
    memref.store %squeeze3A_78, %arg6[%swap3A_80] : memref<64xi32, #tpu.memory_space<smem>>
    %get3A_82 = arith.constant 16 : index
    %get3A_83 = tpu.vector_load %arg5[%get3A_82] {strides = array<i32>} : memref<64xi32, #tpu.memory_space<vmem>>, vector<16xi32>,
    %get3A_84 = vector.shape_cast %get3A_83 : vector<16xi32> to vector<16xi32>
    %slice3A_85 = vector.extract_strided_slice %get3A_84 {offsets = [0], sizes = [1], strides = [1]} : vector<16xi32> to vector<1xi32>
    %squeeze3A_86 = vector.extract %slice3A_85[0] : i32 from vector<1xi32>
    %swap3A_87 = arith.constant 16 : i32
    %swap3A_88 = arith.index_cast %swap3A_87 : i32 to index
    %swap3A_89 = memref.load %arg6[%swap3A_88] : memref<64xi32, #tpu.memory_space<smem>>
    memref.store %squeeze3A_86, %arg6[%swap3A_88] : memref<64xi32, #tpu.memory_space<smem>>
    %slice3A_90 = vector.extract_strided_slice %get3A_84 {offsets = [1], sizes = [1], strides = [1]} : vector<16xi32> to vector<1xi32>
    %squeeze3A_91 = vector.extract %slice3A_90[0] : i32 from vector<1xi32>
    %swap3A_92 = arith.constant 17 : i32
    %swap3A_93 = arith.index_cast %swap3A_92 : i32 to index
    %swap3A_94 = memref.load %arg6[%swap3A_93] : memref<64xi32, #tpu.memory_space<smem>>
    memref.store %squeeze3A_91, %arg6[%swap3A_93] : memref<64xi32, #tpu.memory_space<smem>>
    %slice3A_95 = vector.extract_strided_slice %get3A_84 {offsets = [2], sizes = [1], strides = [1]} : vector<16xi32> to vector<1xi32>
    %squeeze3A_96 = vector.extract %slice3A_95[0] : i32 from vector<1xi32>
    %swap3A_97 = arith.constant 18 : i32
    %swap3A_98 = arith.index_cast %swap3A_97 : i32 to index
    %swap3A_99 = memref.load %arg6[%swap3A_98] : memref<64xi32, #tpu.memory_space<smem>>
    memref.store %squeeze3A_96, %arg6[%swap3A_98] : memref<64xi32, #tpu.memory_space<smem>>
    %slice3A_100 = vector.extract_strided_slice %get3A_84 {offsets = [3], sizes = [1], strides = [1]} : vector<16xi32> to vector<1xi32>
    %squeeze3A_101 = vector.extract %slice3A_100[0] : i32 from vector<1xi32>
    %swap3A_102 = arith.constant 19 : i32
    %swap3A_103 = arith.index_cast %swap3A_102 : i32 to index
    %swap3A_104 = memref.load %arg6[%swap3A_103] : memref<64xi32, #tpu.memory_space<smem>>
    memref.store %squeeze3A_101, %arg6[%swap3A_103] : memref<64xi32, #tpu.memory_space<smem>>
    %slice3A_105 = vector.extract_strided_slice %get3A_84 {offsets = [4], sizes = [1], strides = [1]} : vector<16xi32> to vector<1xi32>
    %squeeze3A_106 = vector.extract %slice3A_105[0] : i32 from vector<1xi32>
    %swap3A_107 = arith.constant 20 : i32
    %swap3A_108 = arith.index_cast %swap3A_107 : i32 to index
    %swap3A_109 = memref.load %arg6[%swap3A_108] : memref<64xi32, #tpu.memory_space<smem>>
    memref.store %squeeze3A_106, %arg6[%swap3A_108] : memref<64xi32, #tpu.memory_space<smem>>
    %slice3A_110 = vector.extract_strided_slice %get3A_84 {offsets = [5], sizes = [1], strides = [1]} : vector<16xi32> to vector<1xi32>
    %squeeze3A_111 = vector.extract %slice3A_110[0] : i32 from vector<1xi32>
    %swap3A_112 = arith.constant 21 : i32
    %swap3A_113 = arith.index_cast %swap3A_112 : i32 to index
    %swap3A_114 = memref.load %arg6[%swap3A_113] : memref<64xi32, #tpu.memory_space<smem>>
    memref.store %squeeze3A_111, %arg6[%swap3A_113] : memref<64xi32, #tpu.memory_space<smem>>
    %slice3A_115 = vector.extract_strided_slice %get3A_84 {offsets = [6], sizes = [1], strides = [1]} : vector<16xi32> to vector<1xi32>
    %squeeze3A_116 = vector.extract %slice3A_115[0] : i32 from vector<1xi32>
    %swap3A_117 = arith.constant 22 : i32
    %swap3A_118 = arith.index_cast %swap3A_117 : i32 to index
    %swap3A_119 = memref.load %arg6[%swap3A_118] : memref<64xi32, #tpu.memory_space<smem>>
    memref.store %squeeze3A_116, %arg6[%swap3A_118] : memref<64xi32, #tpu.memory_space<smem>>
    %slice3A_120 = vector.extract_strided_slice %get3A_84 {offsets = [7], sizes = [1], strides = [1]} : vector<16xi32> to vector<1xi32>
    %squeeze3A_121 = vector.extract %slice3A_120[0] : i32 from vector<1xi32>
    %swap3A_122 = arith.constant 23 : i32
    %swap3A_123 = arith.index_cast %swap3A_122 : i32 to index
    %swap3A_124 = memref.load %arg6[%swap3A_123] : memref<64xi32, #tpu.memory_space<smem>>
    memref.store %squeeze3A_121, %arg6[%swap3A_123] : memref<64xi32, #tpu.memory_space<smem>>
    %slice3A_125 = vector.extract_strided_slice %get3A_84 {offsets = [8], sizes = [1], strides = [1]} : vector<16xi32> to vector<1xi32>
    %squeeze3A_126 = vector.extract %slice3A_125[0] : i32 from vector<1xi32>
    %swap3A_127 = arith.constant 24 : i32
    %swap3A_128 = arith.index_cast %swap3A_127 : i32 to index
    %swap3A_129 = memref.load %arg6[%swap3A_128] : memref<64xi32, #tpu.memory_space<smem>>
    memref.store %squeeze3A_126, %arg6[%swap3A_128] : memref<64xi32, #tpu.memory_space<smem>>
    %slice3A_130 = vector.extract_strided_slice %get3A_84 {offsets = [9], sizes = [1], strides = [1]} : vector<16xi32> to vector<1xi32>
    %squeeze3A_131 = vector.extract %slice3A_130[0] : i32 from vector<1xi32>
    %swap3A_132 = arith.constant 25 : i32
    %swap3A_133 = arith.index_cast %swap3A_132 : i32 to index
    %swap3A_134 = memref.load %arg6[%swap3A_133] : memref<64xi32, #tpu.memory_space<smem>>
    memref.store %squeeze3A_131, %arg6[%swap3A_133] : memref<64xi32, #tpu.memory_space<smem>>
    %slice3A_135 = vector.extract_strided_slice %get3A_84 {offsets = [10], sizes = [1], strides = [1]} : vector<16xi32> to vector<1xi32>
    %squeeze3A_136 = vector.extract %slice3A_135[0] : i32 from vector<1xi32>
    %swap3A_137 = arith.constant 26 : i32
    %swap3A_138 = arith.index_cast %swap3A_137 : i32 to index
    %swap3A_139 = memref.load %arg6[%swap3A_138] : memref<64xi32, #tpu.memory_space<smem>>
    memref.store %squeeze3A_136, %arg6[%swap3A_138] : memref<64xi32, #tpu.memory_space<smem>>
    %slice3A_140 = vector.extract_strided_slice %get3A_84 {offsets = [11], sizes = [1], strides = [1]} : vector<16xi32> to vector<1xi32>
    %squeeze3A_141 = vector.extract %slice3A_140[0] : i32 from vector<1xi32>
    %swap3A_142 = arith.constant 27 : i32
    %swap3A_143 = arith.index_cast %swap3A_142 : i32 to index
    %swap3A_144 = memref.load %arg6[%swap3A_143] : memref<64xi32, #tpu.memory_space<smem>>
    memref.store %squeeze3A_141, %arg6[%swap3A_143] : memref<64xi32, #tpu.memory_space<smem>>
    %slice3A_145 = vector.extract_strided_slice %get3A_84 {offsets = [12], sizes = [1], strides = [1]} : vector<16xi32> to vector<1xi32>
    %squeeze3A_146 = vector.extract %slice3A_145[0] : i32 from vector<1xi32>
    %swap3A_147 = arith.constant 28 : i32
    %swap3A_148 = arith.index_cast %swap3A_147 : i32 to index
    %swap3A_149 = memref.load %arg6[%swap3A_148] : memref<64xi32, #tpu.memory_space<smem>>
    memref.store %squeeze3A_146, %arg6[%swap3A_148] : memref<64xi32, #tpu.memory_space<smem>>
    %slice3A_150 = vector.extract_strided_slice %get3A_84 {offsets = [13], sizes = [1], strides = [1]} : vector<16xi32> to vector<1xi32>
    %squeeze3A_151 = vector.extract %slice3A_150[0] : i32 from vector<1xi32>
    %swap3A_152 = arith.constant 29 : i32
    %swap3A_153 = arith.index_cast %swap3A_152 : i32 to index
    %swap3A_154 = memref.load %arg6[%swap3A_153] : memref<64xi32, #tpu.memory_space<smem>>
    memref.store %squeeze3A_151, %arg6[%swap3A_153] : memref<64xi32, #tpu.memory_space<smem>>
    %slice3A_155 = vector.extract_strided_slice %get3A_84 {offsets = [14], sizes = [1], strides = [1]} : vector<16xi32> to vector<1xi32>
    %squeeze3A_156 = vector.extract %slice3A_155[0] : i32 from vector<1xi32>
    %swap3A_157 = arith.constant 30 : i32
    %swap3A_158 = arith.index_cast %swap3A_157 : i32 to index
    %swap3A_159 = memref.load %arg6[%swap3A_158] : memref<64xi32, #tpu.memory_space<smem>>
    memref.store %squeeze3A_156, %arg6[%swap3A_158] : memref<64xi32, #tpu.memory_space<smem>>
    %slice3A_160 = vector.extract_strided_slice %get3A_84 {offsets = [15], sizes = [1], strides = [1]} : vector<16xi32> to vector<1xi32>
    %squeeze3A_161 = vector.extract %slice3A_160[0] : i32 from vector<1xi32>
    %swap3A_162 = arith.constant 31 : i32
    %swap3A_163 = arith.index_cast %swap3A_162 : i32 to index
    %swap3A_164 = memref.load %arg6[%swap3A_163] : memref<64xi32, #tpu.memory_space<smem>>
    memref.store %squeeze3A_161, %arg6[%swap3A_163] : memref<64xi32, #tpu.memory_space<smem>>
    %get3A_165 = arith.constant 32 : index
    %get3A_166 = tpu.vector_load %arg5[%get3A_165] {strides = array<i32>} : memref<64xi32, #tpu.memory_space<vmem>>, vector<16xi32>,
    %get3A_167 = vector.shape_cast %get3A_166 : vector<16xi32> to vector<16xi32>
    %slice3A_168 = vector.extract_strided_slice %get3A_167 {offsets = [0], sizes = [1], strides = [1]} : vector<16xi32> to vector<1xi32>
    %squeeze3A_169 = vector.extract %slice3A_168[0] : i32 from vector<1xi32>
    %swap3A_170 = arith.constant 32 : i32
    %swap3A_171 = arith.index_cast %swap3A_170 : i32 to index
    %swap3A_172 = memref.load %arg6[%swap3A_171] : memref<64xi32, #tpu.memory_space<smem>>
    memref.store %squeeze3A_169, %arg6[%swap3A_171] : memref<64xi32, #tpu.memory_space<smem>>
    %slice3A_173 = vector.extract_strided_slice %get3A_167 {offsets = [1], sizes = [1], strides = [1]} : vector<16xi32> to vector<1xi32>
    %squeeze3A_174 = vector.extract %slice3A_173[0] : i32 from vector<1xi32>
    %swap3A_175 = arith.constant 33 : i32
    %swap3A_176 = arith.index_cast %swap3A_175 : i32 to index
    %swap3A_177 = memref.load %arg6[%swap3A_176] : memref<64xi32, #tpu.memory_space<smem>>
    memref.store %squeeze3A_174, %arg6[%swap3A_176] : memref<64xi32, #tpu.memory_space<smem>>
    %slice3A_178 = vector.extract_strided_slice %get3A_167 {offsets = [2], sizes = [1], strides = [1]} : vector<16xi32> to vector<1xi32>
    %squeeze3A_179 = vector.extract %slice3A_178[0] : i32 from vector<1xi32>
    %swap3A_180 = arith.constant 34 : i32
    %swap3A_181 = arith.index_cast %swap3A_180 : i32 to index
    %swap3A_182 = memref.load %arg6[%swap3A_181] : memref<64xi32, #tpu.memory_space<smem>>
    memref.store %squeeze3A_179, %arg6[%swap3A_181] : memref<64xi32, #tpu.memory_space<smem>>
    %slice3A_183 = vector.extract_strided_slice %get3A_167 {offsets = [3], sizes = [1], strides = [1]} : vector<16xi32> to vector<1xi32>
    %squeeze3A_184 = vector.extract %slice3A_183[0] : i32 from vector<1xi32>
    %swap3A_185 = arith.constant 35 : i32
    %swap3A_186 = arith.index_cast %swap3A_185 : i32 to index
    %swap3A_187 = memref.load %arg6[%swap3A_186] : memref<64xi32, #tpu.memory_space<smem>>
    memref.store %squeeze3A_184, %arg6[%swap3A_186] : memref<64xi32, #tpu.memory_space<smem>>
    %slice3A_188 = vector.extract_strided_slice %get3A_167 {offsets = [4], sizes = [1], strides = [1]} : vector<16xi32> to vector<1xi32>
    %squeeze3A_189 = vector.extract %slice3A_188[0] : i32 from vector<1xi32>
    %swap3A_190 = arith.constant 36 : i32
    %swap3A_191 = arith.index_cast %swap3A_190 : i32 to index
    %swap3A_192 = memref.load %arg6[%swap3A_191] : memref<64xi32, #tpu.memory_space<smem>>
    memref.store %squeeze3A_189, %arg6[%swap3A_191] : memref<64xi32, #tpu.memory_space<smem>>
    %slice3A_193 = vector.extract_strided_slice %get3A_167 {offsets = [5], sizes = [1], strides = [1]} : vector<16xi32> to vector<1xi32>
    %squeeze3A_194 = vector.extract %slice3A_193[0] : i32 from vector<1xi32>
    %swap3A_195 = arith.constant 37 : i32
    %swap3A_196 = arith.index_cast %swap3A_195 : i32 to index
    %swap3A_197 = memref.load %arg6[%swap3A_196] : memref<64xi32, #tpu.memory_space<smem>>
    memref.store %squeeze3A_194, %arg6[%swap3A_196] : memref<64xi32, #tpu.memory_space<smem>>
    %slice3A_198 = vector.extract_strided_slice %get3A_167 {offsets = [6], sizes = [1], strides = [1]} : vector<16xi32> to vector<1xi32>
    %squeeze3A_199 = vector.extract %slice3A_198[0] : i32 from vector<1xi32>
    %swap3A_200 = arith.constant 38 : i32
    %swap3A_201 = arith.index_cast %swap3A_200 : i32 to index
    %swap3A_202 = memref.load %arg6[%swap3A_201] : memref<64xi32, #tpu.memory_space<smem>>
    memref.store %squeeze3A_199, %arg6[%swap3A_201] : memref<64xi32, #tpu.memory_space<smem>>
    %slice3A_203 = vector.extract_strided_slice %get3A_167 {offsets = [7], sizes = [1], strides = [1]} : vector<16xi32> to vector<1xi32>
    %squeeze3A_204 = vector.extract %slice3A_203[0] : i32 from vector<1xi32>
    %swap3A_205 = arith.constant 39 : i32
    %swap3A_206 = arith.index_cast %swap3A_205 : i32 to index
    %swap3A_207 = memref.load %arg6[%swap3A_206] : memref<64xi32, #tpu.memory_space<smem>>
    memref.store %squeeze3A_204, %arg6[%swap3A_206] : memref<64xi32, #tpu.memory_space<smem>>
    %slice3A_208 = vector.extract_strided_slice %get3A_167 {offsets = [8], sizes = [1], strides = [1]} : vector<16xi32> to vector<1xi32>
    %squeeze3A_209 = vector.extract %slice3A_208[0] : i32 from vector<1xi32>
    %swap3A_210 = arith.constant 40 : i32
    %swap3A_211 = arith.index_cast %swap3A_210 : i32 to index
    %swap3A_212 = memref.load %arg6[%swap3A_211] : memref<64xi32, #tpu.memory_space<smem>>
    memref.store %squeeze3A_209, %arg6[%swap3A_211] : memref<64xi32, #tpu.memory_space<smem>>
    %slice3A_213 = vector.extract_strided_slice %get3A_167 {offsets = [9], sizes = [1], strides = [1]} : vector<16xi32> to vector<1xi32>
    %squeeze3A_214 = vector.extract %slice3A_213[0] : i32 from vector<1xi32>
    %swap3A_215 = arith.constant 41 : i32
    %swap3A_216 = arith.index_cast %swap3A_215 : i32 to index
    %swap3A_217 = memref.load %arg6[%swap3A_216] : memref<64xi32, #tpu.memory_space<smem>>
    memref.store %squeeze3A_214, %arg6[%swap3A_216] : memref<64xi32, #tpu.memory_space<smem>>
    %slice3A_218 = vector.extract_strided_slice %get3A_167 {offsets = [10], sizes = [1], strides = [1]} : vector<16xi32> to vector<1xi32>
    %squeeze3A_219 = vector.extract %slice3A_218[0] : i32 from vector<1xi32>
    %swap3A_220 = arith.constant 42 : i32
    %swap3A_221 = arith.index_cast %swap3A_220 : i32 to index
    %swap3A_222 = memref.load %arg6[%swap3A_221] : memref<64xi32, #tpu.memory_space<smem>>
    memref.store %squeeze3A_219, %arg6[%swap3A_221] : memref<64xi32, #tpu.memory_space<smem>>
    %slice3A_223 = vector.extract_strided_slice %get3A_167 {offsets = [11], sizes = [1], strides = [1]} : vector<16xi32> to vector<1xi32>
    %squeeze3A_224 = vector.extract %slice3A_223[0] : i32 from vector<1xi32>
    %swap3A_225 = arith.constant 43 : i32
    %swap3A_226 = arith.index_cast %swap3A_225 : i32 to index
    %swap3A_227 = memref.load %arg6[%swap3A_226] : memref<64xi32, #tpu.memory_space<smem>>
    memref.store %squeeze3A_224, %arg6[%swap3A_226] : memref<64xi32, #tpu.memory_space<smem>>
    %slice3A_228 = vector.extract_strided_slice %get3A_167 {offsets = [12], sizes = [1], strides = [1]} : vector<16xi32> to vector<1xi32>
    %squeeze3A_229 = vector.extract %slice3A_228[0] : i32 from vector<1xi32>
    %swap3A_230 = arith.constant 44 : i32
    %swap3A_231 = arith.index_cast %swap3A_230 : i32 to index
    %swap3A_232 = memref.load %arg6[%swap3A_231] : memref<64xi32, #tpu.memory_space<smem>>
    memref.store %squeeze3A_229, %arg6[%swap3A_231] : memref<64xi32, #tpu.memory_space<smem>>
    %slice3A_233 = vector.extract_strided_slice %get3A_167 {offsets = [13], sizes = [1], strides = [1]} : vector<16xi32> to vector<1xi32>
    %squeeze3A_234 = vector.extract %slice3A_233[0] : i32 from vector<1xi32>
    %swap3A_235 = arith.constant 45 : i32
    %swap3A_236 = arith.index_cast %swap3A_235 : i32 to index
    %swap3A_237 = memref.load %arg6[%swap3A_236] : memref<64xi32, #tpu.memory_space<smem>>
    memref.store %squeeze3A_234, %arg6[%swap3A_236] : memref<64xi32, #tpu.memory_space<smem>>
    %slice3A_238 = vector.extract_strided_slice %get3A_167 {offsets = [14], sizes = [1], strides = [1]} : vector<16xi32> to vector<1xi32>
    %squeeze3A_239 = vector.extract %slice3A_238[0] : i32 from vector<1xi32>
    %swap3A_240 = arith.constant 46 : i32
    %swap3A_241 = arith.index_cast %swap3A_240 : i32 to index
    %swap3A_242 = memref.load %arg6[%swap3A_241] : memref<64xi32, #tpu.memory_space<smem>>
    memref.store %squeeze3A_239, %arg6[%swap3A_241] : memref<64xi32, #tpu.memory_space<smem>>
    %slice3A_243 = vector.extract_strided_slice %get3A_167 {offsets = [15], sizes = [1], strides = [1]} : vector<16xi32> to vector<1xi32>
    %squeeze3A_244 = vector.extract %slice3A_243[0] : i32 from vector<1xi32>
    %swap3A_245 = arith.constant 47 : i32
    %swap3A_246 = arith.index_cast %swap3A_245 : i32 to index
    %swap3A_247 = memref.load %arg6[%swap3A_246] : memref<64xi32, #tpu.memory_space<smem>>
    memref.store %squeeze3A_244, %arg6[%swap3A_246] : memref<64xi32, #tpu.memory_space<smem>>
    %get3A_248 = arith.constant 48 : index
    %get3A_249 = tpu.vector_load %arg5[%get3A_248] {strides = array<i32>} : memref<64xi32, #tpu.memory_space<vmem>>, vector<16xi32>,
    %get3A_250 = vector.shape_cast %get3A_249 : vector<16xi32> to vector<16xi32>
    %slice3A_251 = vector.extract_strided_slice %get3A_250 {offsets = [0], sizes = [1], strides = [1]} : vector<16xi32> to vector<1xi32>
    %squeeze3A_252 = vector.extract %slice3A_251[0] : i32 from vector<1xi32>
    %swap3A_253 = arith.constant 48 : i32
    %swap3A_254 = arith.index_cast %swap3A_253 : i32 to index
    %swap3A_255 = memref.load %arg6[%swap3A_254] : memref<64xi32, #tpu.memory_space<smem>>
    memref.store %squeeze3A_252, %arg6[%swap3A_254] : memref<64xi32, #tpu.memory_space<smem>>
    %slice3A_256 = vector.extract_strided_slice %get3A_250 {offsets = [1], sizes = [1], strides = [1]} : vector<16xi32> to vector<1xi32>
    %squeeze3A_257 = vector.extract %slice3A_256[0] : i32 from vector<1xi32>
    %swap3A_258 = arith.constant 49 : i32
    %swap3A_259 = arith.index_cast %swap3A_258 : i32 to index
    %swap3A_260 = memref.load %arg6[%swap3A_259] : memref<64xi32, #tpu.memory_space<smem>>
    memref.store %squeeze3A_257, %arg6[%swap3A_259] : memref<64xi32, #tpu.memory_space<smem>>
    %add3A_261 = arith.constant 0 : i32
    %add3A_262 = arith.addi %mul3A_2, %add3A_261 : i32
    %dma_start3A = arith.constant 0 : i32
    %dma_start3A_263 = tpu.memref_slice %arg2[%add3A_262, %dma_start3A] : memref<16384x6400xf32, #tpu.memory_space<hbm>> -> memref<8x6400xf32, #tpu.memory_space<hbm>>
    %dma_start3A_264 = arith.constant 0 : i32
    %dma_start3A_265 = tpu.memref_slice %arg2[%add3A_262, %dma_start3A_264] : memref<16384x6400xf32, #tpu.memory_space<hbm>> -> memref<8x6400xf32, #tpu.memory_space<hbm>>
    tpu.enqueue_dma source(%dma_start3A_265 : memref<8x6400xf32, #tpu.memory_space<hbm>>) target(%arg7 : memref<8x6400xf32, #tpu.memory_space<vmem>>) target_semaphore(%arg10 : memref<!tpu.dma_semaphore, #tpu.memory_space<semaphore_mem>>)
    %scan3A = arith.constant 0 : i32
    %scan3A_266 = arith.constant 0 : i32
    %scan3A_267 = arith.constant 32 : i32
    %scan3A_268 = arith.addi %scan3A_266, %scan3A_267 : i32
    %scan3A_269 = arith.constant 1 : i32
    %scan3A_270 = scf.for %scan3A_277 = %scan3A_266 to %scan3A_268 step %scan3A_269 iter_args(%scan3A_278 = %scan3A) -> (i32)  : i32 {
      %mul3A_279 = arith.constant 2 : i32
      %mul3A_280 = arith.muli %scan3A_277, %mul3A_279 : i32
      %add3A_281 = arith.constant 0 : i32
      %add3A_282 = arith.addi %mul3A_280, %add3A_281 : i32
      %add3A_283 = arith.constant 1 : i32
      %add3A_284 = arith.addi %add3A_282, %add3A_283 : i32
      %lt3A = arith.constant 64 : i32
      %lt3A_285 = arith.cmpi slt, %add3A_284, %lt3A : i32
      %convert_element_type3A = arith.extui %lt3A_285 : i1 to i32
      %cond3A = arith.constant 0 : i32
      %cond3A_286 = arith.cmpi ne, %convert_element_type3A, %cond3A : i32
      scf.if %cond3A_286 {
        %add3A_348 = arith.constant 1 : i32
        %add3A_349 = arith.addi %add3A_282, %add3A_348 : i32
        %mul3A_350 = arith.constant 8 : i32
        %mul3A_351 = arith.muli %add3A_349, %mul3A_350 : i32
        %add3A_352 = arith.addi %mul3A_2, %mul3A_351 : i32
        %dma_start3A_353 = arith.constant 0 : i32
        %dma_start3A_354 = tpu.memref_slice %arg2[%add3A_352, %dma_start3A_353] : memref<16384x6400xf32, #tpu.memory_space<hbm>> -> memref<8x6400xf32, #tpu.memory_space<hbm>>
        %dma_start3A_355 = arith.constant 0 : i32
        %dma_start3A_356 = tpu.memref_slice %arg2[%add3A_352, %dma_start3A_355] : memref<16384x6400xf32, #tpu.memory_space<hbm>> -> memref<8x6400xf32, #tpu.memory_space<hbm>>
        tpu.enqueue_dma source(%dma_start3A_356 : memref<8x6400xf32, #tpu.memory_space<hbm>>) target(%arg8 : memref<8x6400xf32, #tpu.memory_space<vmem>>) target_semaphore(%arg11 : memref<!tpu.dma_semaphore, #tpu.memory_space<semaphore_mem>>)
      } else {
      }
      %mul3A_287 = arith.constant 8 : i32
      %mul3A_288 = arith.muli %add3A_282, %mul3A_287 : i32
      %add3A_289 = arith.addi %mul3A_2, %mul3A_288 : i32
      %dma_wait3A_290 = arith.constant 0 : i32
      %dma_wait3A_291 = tpu.memref_slice %arg2[%add3A_289, %dma_wait3A_290] : memref<16384x6400xf32, #tpu.memory_space<hbm>> -> memref<8x6400xf32, #tpu.memory_space<hbm>>
      %dma_wait3A_292 = arith.constant 0 : i32
      %dma_wait3A_293 = tpu.memref_slice %arg2[%add3A_289, %dma_wait3A_292] : memref<16384x6400xf32, #tpu.memory_space<hbm>> -> memref<8x6400xf32, #tpu.memory_space<hbm>>
      tpu.wait_dma2 semaphore(%arg10 : memref<!tpu.dma_semaphore, #tpu.memory_space<semaphore_mem>>) src(%dma_wait3A_293 : memref<8x6400xf32, #tpu.memory_space<hbm>>) dst(%arg7 : memref<8x6400xf32, #tpu.memory_space<vmem>>)
      %ge3A = arith.constant 1 : i32
      %ge3A_294 = arith.cmpi sge, %add3A_282, %ge3A : i32
      %convert_element_type3A_295 = arith.extui %ge3A_294 : i1 to i32
      %cond3A_296 = arith.constant 0 : i32
      %cond3A_297 = arith.cmpi ne, %convert_element_type3A_295, %cond3A_296 : i32
      scf.if %cond3A_297 {
        %sub3A = arith.constant 1 : i32
        %sub3A_348 = arith.subi %add3A_282, %sub3A : i32
        %mul3A_349 = arith.constant 8 : i32
        %mul3A_350 = arith.muli %sub3A_348, %mul3A_349 : i32
        %add3A_351 = arith.addi %mul3A_2, %mul3A_350 : i32
        %dma_wait3A_352 = arith.constant 0 : i32
        %dma_wait3A_353 = tpu.memref_slice %arg4[%add3A_351, %dma_wait3A_352] : memref<16384x3200xf32, #tpu.memory_space<hbm>> -> memref<8x3200xf32, #tpu.memory_space<hbm>>
        %dma_wait3A_354 = arith.constant 0 : i32
        %dma_wait3A_355 = tpu.memref_slice %arg4[%add3A_351, %dma_wait3A_354] : memref<16384x3200xf32, #tpu.memory_space<hbm>> -> memref<8x3200xf32, #tpu.memory_space<hbm>>
        tpu.wait_dma2 semaphore(%arg12 : memref<!tpu.dma_semaphore, #tpu.memory_space<semaphore_mem>>) src(%arg9 : memref<8x3200xf32, #tpu.memory_space<vmem>>) dst(%dma_wait3A_355 : memref<8x3200xf32, #tpu.memory_space<hbm>>)
      } else {
      }
      %scan3A_298 = arith.constant 0 : i32
      %scan3A_299 = arith.constant 0 : i32
      %scan3A_300 = arith.constant 50 : i32
      %scan3A_301 = arith.addi %scan3A_299, %scan3A_300 : i32
      %scan3A_302 = arith.constant 1 : i32
      scf.for %scan3A_348 = %scan3A_299 to %scan3A_301 step %scan3A_302  : i32 {
        %get3A_349 = arith.index_cast %scan3A_348 : i32 to index
        %get3A_350 = memref.load %arg6[%get3A_349] : memref<64xi32, #tpu.memory_space<smem>>
        %multiple_of3A = tpu.assume_multiple %get3A_350, 64 : i32
        %mul3A_351 = arith.constant 64 : i32
        %mul3A_352 = arith.muli %scan3A_348, %mul3A_351 : i32
        %multiple_of3A_353 = tpu.assume_multiple %mul3A_352, 64 : i32
        %add3A_354 = arith.constant 0 : i32
        %add3A_355 = arith.addi %multiple_of3A, %add3A_354 : i32
        %get3A_356 = arith.constant 0 : i32
        %get3A_357 = arith.index_cast %get3A_356 : i32 to index
        %get3A_358 = arith.index_cast %add3A_355 : i32 to index
        %get3A_359 = tpu.vector_load %arg7[%get3A_357, %get3A_358] {strides = array<i32>} : memref<8x6400xf32, #tpu.memory_space<vmem>>, vector<1x16xf32>,
        %get3A_360 = vector.shape_cast %get3A_359 : vector<1x16xf32> to vector<16xf32>
        %add3A_361 = arith.constant 16 : i32
        %add3A_362 = arith.addi %multiple_of3A, %add3A_361 : i32
        %get3A_363 = arith.constant 0 : i32
        %get3A_364 = arith.index_cast %get3A_363 : i32 to index
        %get3A_365 = arith.index_cast %add3A_362 : i32 to index
        %get3A_366 = tpu.vector_load %arg7[%get3A_364, %get3A_365] {strides = array<i32>} : memref<8x6400xf32, #tpu.memory_space<vmem>>, vector<1x16xf32>,
        %get3A_367 = vector.shape_cast %get3A_366 : vector<1x16xf32> to vector<16xf32>
        %add3A_368 = arith.constant 32 : i32
        %add3A_369 = arith.addi %multiple_of3A, %add3A_368 : i32
        %get3A_370 = arith.constant 0 : i32
        %get3A_371 = arith.index_cast %get3A_370 : i32 to index
        %get3A_372 = arith.index_cast %add3A_369 : i32 to index
        %get3A_373 = tpu.vector_load %arg7[%get3A_371, %get3A_372] {strides = array<i32>} : memref<8x6400xf32, #tpu.memory_space<vmem>>, vector<1x16xf32>,
        %get3A_374 = vector.shape_cast %get3A_373 : vector<1x16xf32> to vector<16xf32>
        %add3A_375 = arith.constant 48 : i32
        %add3A_376 = arith.addi %multiple_of3A, %add3A_375 : i32
        %get3A_377 = arith.constant 0 : i32
        %get3A_378 = arith.index_cast %get3A_377 : i32 to index
        %get3A_379 = arith.index_cast %add3A_376 : i32 to index
        %get3A_380 = tpu.vector_load %arg7[%get3A_378, %get3A_379] {strides = array<i32>} : memref<8x6400xf32, #tpu.memory_space<vmem>>, vector<1x16xf32>,
        %get3A_381 = vector.shape_cast %get3A_380 : vector<1x16xf32> to vector<16xf32>
        %add3A_382 = arith.constant 0 : i32
        %add3A_383 = arith.addi %multiple_of3A, %add3A_382 : i32
        %get3A_384 = arith.constant 1 : i32
        %get3A_385 = arith.index_cast %get3A_384 : i32 to index
        %get3A_386 = arith.index_cast %add3A_383 : i32 to index
        %get3A_387 = tpu.vector_load %arg7[%get3A_385, %get3A_386] {strides = array<i32>} : memref<8x6400xf32, #tpu.memory_space<vmem>>, vector<1x16xf32>,
        %get3A_388 = vector.shape_cast %get3A_387 : vector<1x16xf32> to vector<16xf32>
        %add3A_389 = arith.constant 16 : i32
        %add3A_390 = arith.addi %multiple_of3A, %add3A_389 : i32
        %get3A_391 = arith.constant 1 : i32
        %get3A_392 = arith.index_cast %get3A_391 : i32 to index
        %get3A_393 = arith.index_cast %add3A_390 : i32 to index
        %get3A_394 = tpu.vector_load %arg7[%get3A_392, %get3A_393] {strides = array<i32>} : memref<8x6400xf32, #tpu.memory_space<vmem>>, vector<1x16xf32>,
        %get3A_395 = vector.shape_cast %get3A_394 : vector<1x16xf32> to vector<16xf32>
        %add3A_396 = arith.constant 32 : i32
        %add3A_397 = arith.addi %multiple_of3A, %add3A_396 : i32
        %get3A_398 = arith.constant 1 : i32
        %get3A_399 = arith.index_cast %get3A_398 : i32 to index
        %get3A_400 = arith.index_cast %add3A_397 : i32 to index
        %get3A_401 = tpu.vector_load %arg7[%get3A_399, %get3A_400] {strides = array<i32>} : memref<8x6400xf32, #tpu.memory_space<vmem>>, vector<1x16xf32>,
        %get3A_402 = vector.shape_cast %get3A_401 : vector<1x16xf32> to vector<16xf32>
        %add3A_403 = arith.constant 48 : i32
        %add3A_404 = arith.addi %multiple_of3A, %add3A_403 : i32
        %get3A_405 = arith.constant 1 : i32
        %get3A_406 = arith.index_cast %get3A_405 : i32 to index
        %get3A_407 = arith.index_cast %add3A_404 : i32 to index
        %get3A_408 = tpu.vector_load %arg7[%get3A_406, %get3A_407] {strides = array<i32>} : memref<8x6400xf32, #tpu.memory_space<vmem>>, vector<1x16xf32>,
        %get3A_409 = vector.shape_cast %get3A_408 : vector<1x16xf32> to vector<16xf32>
        %add3A_410 = arith.constant 0 : i32
        %add3A_411 = arith.addi %multiple_of3A, %add3A_410 : i32
        %get3A_412 = arith.constant 2 : i32
        %get3A_413 = arith.index_cast %get3A_412 : i32 to index
        %get3A_414 = arith.index_cast %add3A_411 : i32 to index
        %get3A_415 = tpu.vector_load %arg7[%get3A_413, %get3A_414] {strides = array<i32>} : memref<8x6400xf32, #tpu.memory_space<vmem>>, vector<1x16xf32>,
        %get3A_416 = vector.shape_cast %get3A_415 : vector<1x16xf32> to vector<16xf32>
        %add3A_417 = arith.constant 0 : i32
        %add3A_418 = arith.addi %multiple_of3A_353, %add3A_417 : i32
        %swap3A_419 = arith.constant 0 : i32
        %swap3A_420 = arith.index_cast %swap3A_419 : i32 to index
        %swap3A_421 = arith.index_cast %add3A_418 : i32 to index
        %swap3A_422 = tpu.vector_load %arg9[%swap3A_420, %swap3A_421] {strides = array<i32>} : memref<8x3200xf32, #tpu.memory_space<vmem>>, vector<1x16xf32>,
        %swap3A_423 = vector.shape_cast %swap3A_422 : vector<1x16xf32> to vector<16xf32>
        %swap3A_424 = vector.shape_cast %get3A_360 : vector<16xf32> to vector<1x16xf32>
        tpu.vector_store %arg9[%swap3A_420, %swap3A_421], %swap3A_424 {strides = array<i32>} : memref<8x3200xf32, #tpu.memory_space<vmem>>, vector<1x16xf32>,
        %add3A_425 = arith.constant 16 : i32
        %add3A_426 = arith.addi %multiple_of3A, %add3A_425 : i32
        %get3A_427 = arith.constant 2 : i32
        %get3A_428 = arith.index_cast %get3A_427 : i32 to index
        %get3A_429 = arith.index_cast %add3A_426 : i32 to index
        %get3A_430 = tpu.vector_load %arg7[%get3A_428, %get3A_429] {strides = array<i32>} : memref<8x6400xf32, #tpu.memory_space<vmem>>, vector<1x16xf32>,
        %get3A_431 = vector.shape_cast %get3A_430 : vector<1x16xf32> to vector<16xf32>
        %add3A_432 = arith.constant 16 : i32
        %add3A_433 = arith.addi %multiple_of3A_353, %add3A_432 : i32
        %swap3A_434 = arith.constant 0 : i32
        %swap3A_435 = arith.index_cast %swap3A_434 : i32 to index
        %swap3A_436 = arith.index_cast %add3A_433 : i32 to index
        %swap3A_437 = tpu.vector_load %arg9[%swap3A_435, %swap3A_436] {strides = array<i32>} : memref<8x3200xf32, #tpu.memory_space<vmem>>, vector<1x16xf32>,
        %swap3A_438 = vector.shape_cast %swap3A_437 : vector<1x16xf32> to vector<16xf32>
        %swap3A_439 = vector.shape_cast %get3A_367 : vector<16xf32> to vector<1x16xf32>
        tpu.vector_store %arg9[%swap3A_435, %swap3A_436], %swap3A_439 {strides = array<i32>} : memref<8x3200xf32, #tpu.memory_space<vmem>>, vector<1x16xf32>,
        %add3A_440 = arith.constant 32 : i32
        %add3A_441 = arith.addi %multiple_of3A, %add3A_440 : i32
        %get3A_442 = arith.constant 2 : i32
        %get3A_443 = arith.index_cast %get3A_442 : i32 to index
        %get3A_444 = arith.index_cast %add3A_441 : i32 to index
        %get3A_445 = tpu.vector_load %arg7[%get3A_443, %get3A_444] {strides = array<i32>} : memref<8x6400xf32, #tpu.memory_space<vmem>>, vector<1x16xf32>,
        %get3A_446 = vector.shape_cast %get3A_445 : vector<1x16xf32> to vector<16xf32>
        %add3A_447 = arith.constant 32 : i32
        %add3A_448 = arith.addi %multiple_of3A_353, %add3A_447 : i32
        %swap3A_449 = arith.constant 0 : i32
        %swap3A_450 = arith.index_cast %swap3A_449 : i32 to index
        %swap3A_451 = arith.index_cast %add3A_448 : i32 to index
        %swap3A_452 = tpu.vector_load %arg9[%swap3A_450, %swap3A_451] {strides = array<i32>} : memref<8x3200xf32, #tpu.memory_space<vmem>>, vector<1x16xf32>,
        %swap3A_453 = vector.shape_cast %swap3A_452 : vector<1x16xf32> to vector<16xf32>
        %swap3A_454 = vector.shape_cast %get3A_374 : vector<16xf32> to vector<1x16xf32>
        tpu.vector_store %arg9[%swap3A_450, %swap3A_451], %swap3A_454 {strides = array<i32>} : memref<8x3200xf32, #tpu.memory_space<vmem>>, vector<1x16xf32>,
        %add3A_455 = arith.constant 48 : i32
        %add3A_456 = arith.addi %multiple_of3A, %add3A_455 : i32
        %get3A_457 = arith.constant 2 : i32
        %get3A_458 = arith.index_cast %get3A_457 : i32 to index
        %get3A_459 = arith.index_cast %add3A_456 : i32 to index
        %get3A_460 = tpu.vector_load %arg7[%get3A_458, %get3A_459] {strides = array<i32>} : memref<8x6400xf32, #tpu.memory_space<vmem>>, vector<1x16xf32>,
        %get3A_461 = vector.shape_cast %get3A_460 : vector<1x16xf32> to vector<16xf32>
        %add3A_462 = arith.constant 48 : i32
        %add3A_463 = arith.addi %multiple_of3A_353, %add3A_462 : i32
        %swap3A_464 = arith.constant 0 : i32
        %swap3A_465 = arith.index_cast %swap3A_464 : i32 to index
        %swap3A_466 = arith.index_cast %add3A_463 : i32 to index
        %swap3A_467 = tpu.vector_load %arg9[%swap3A_465, %swap3A_466] {strides = array<i32>} : memref<8x3200xf32, #tpu.memory_space<vmem>>, vector<1x16xf32>,
        %swap3A_468 = vector.shape_cast %swap3A_467 : vector<1x16xf32> to vector<16xf32>
        %swap3A_469 = vector.shape_cast %get3A_381 : vector<16xf32> to vector<1x16xf32>
        tpu.vector_store %arg9[%swap3A_465, %swap3A_466], %swap3A_469 {strides = array<i32>} : memref<8x3200xf32, #tpu.memory_space<vmem>>, vector<1x16xf32>,
        %add3A_470 = arith.constant 0 : i32
        %add3A_471 = arith.addi %multiple_of3A, %add3A_470 : i32
        %get3A_472 = arith.constant 3 : i32
        %get3A_473 = arith.index_cast %get3A_472 : i32 to index
        %get3A_474 = arith.index_cast %add3A_471 : i32 to index
        %get3A_475 = tpu.vector_load %arg7[%get3A_473, %get3A_474] {strides = array<i32>} : memref<8x6400xf32, #tpu.memory_space<vmem>>, vector<1x16xf32>,
        %get3A_476 = vector.shape_cast %get3A_475 : vector<1x16xf32> to vector<16xf32>
        %add3A_477 = arith.constant 0 : i32
        %add3A_478 = arith.addi %multiple_of3A_353, %add3A_477 : i32
        %swap3A_479 = arith.constant 1 : i32
        %swap3A_480 = arith.index_cast %swap3A_479 : i32 to index
        %swap3A_481 = arith.index_cast %add3A_478 : i32 to index
        %swap3A_482 = tpu.vector_load %arg9[%swap3A_480, %swap3A_481] {strides = array<i32>} : memref<8x3200xf32, #tpu.memory_space<vmem>>, vector<1x16xf32>,
        %swap3A_483 = vector.shape_cast %swap3A_482 : vector<1x16xf32> to vector<16xf32>
        %swap3A_484 = vector.shape_cast %get3A_388 : vector<16xf32> to vector<1x16xf32>
        tpu.vector_store %arg9[%swap3A_480, %swap3A_481], %swap3A_484 {strides = array<i32>} : memref<8x3200xf32, #tpu.memory_space<vmem>>, vector<1x16xf32>,
        %add3A_485 = arith.constant 16 : i32
        %add3A_486 = arith.addi %multiple_of3A, %add3A_485 : i32
        %get3A_487 = arith.constant 3 : i32
        %get3A_488 = arith.index_cast %get3A_487 : i32 to index
        %get3A_489 = arith.index_cast %add3A_486 : i32 to index
        %get3A_490 = tpu.vector_load %arg7[%get3A_488, %get3A_489] {strides = array<i32>} : memref<8x6400xf32, #tpu.memory_space<vmem>>, vector<1x16xf32>,
        %get3A_491 = vector.shape_cast %get3A_490 : vector<1x16xf32> to vector<16xf32>
        %add3A_492 = arith.constant 16 : i32
        %add3A_493 = arith.addi %multiple_of3A_353, %add3A_492 : i32
        %swap3A_494 = arith.constant 1 : i32
        %swap3A_495 = arith.index_cast %swap3A_494 : i32 to index
        %swap3A_496 = arith.index_cast %add3A_493 : i32 to index
        %swap3A_497 = tpu.vector_load %arg9[%swap3A_495, %swap3A_496] {strides = array<i32>} : memref<8x3200xf32, #tpu.memory_space<vmem>>, vector<1x16xf32>,
        %swap3A_498 = vector.shape_cast %swap3A_497 : vector<1x16xf32> to vector<16xf32>
        %swap3A_499 = vector.shape_cast %get3A_395 : vector<16xf32> to vector<1x16xf32>
        tpu.vector_store %arg9[%swap3A_495, %swap3A_496], %swap3A_499 {strides = array<i32>} : memref<8x3200xf32, #tpu.memory_space<vmem>>, vector<1x16xf32>,
        %add3A_500 = arith.constant 32 : i32
        %add3A_501 = arith.addi %multiple_of3A, %add3A_500 : i32
        %get3A_502 = arith.constant 3 : i32
        %get3A_503 = arith.index_cast %get3A_502 : i32 to index
        %get3A_504 = arith.index_cast %add3A_501 : i32 to index
        %get3A_505 = tpu.vector_load %arg7[%get3A_503, %get3A_504] {strides = array<i32>} : memref<8x6400xf32, #tpu.memory_space<vmem>>, vector<1x16xf32>,
        %get3A_506 = vector.shape_cast %get3A_505 : vector<1x16xf32> to vector<16xf32>
        %add3A_507 = arith.constant 32 : i32
        %add3A_508 = arith.addi %multiple_of3A_353, %add3A_507 : i32
        %swap3A_509 = arith.constant 1 : i32
        %swap3A_510 = arith.index_cast %swap3A_509 : i32 to index
        %swap3A_511 = arith.index_cast %add3A_508 : i32 to index
        %swap3A_512 = tpu.vector_load %arg9[%swap3A_510, %swap3A_511] {strides = array<i32>} : memref<8x3200xf32, #tpu.memory_space<vmem>>, vector<1x16xf32>,
        %swap3A_513 = vector.shape_cast %swap3A_512 : vector<1x16xf32> to vector<16xf32>
        %swap3A_514 = vector.shape_cast %get3A_402 : vector<16xf32> to vector<1x16xf32>
        tpu.vector_store %arg9[%swap3A_510, %swap3A_511], %swap3A_514 {strides = array<i32>} : memref<8x3200xf32, #tpu.memory_space<vmem>>, vector<1x16xf32>,
        %add3A_515 = arith.constant 48 : i32
        %add3A_516 = arith.addi %multiple_of3A, %add3A_515 : i32
        %get3A_517 = arith.constant 3 : i32
        %get3A_518 = arith.index_cast %get3A_517 : i32 to index
        %get3A_519 = arith.index_cast %add3A_516 : i32 to index
        %get3A_520 = tpu.vector_load %arg7[%get3A_518, %get3A_519] {strides = array<i32>} : memref<8x6400xf32, #tpu.memory_space<vmem>>, vector<1x16xf32>,
        %get3A_521 = vector.shape_cast %get3A_520 : vector<1x16xf32> to vector<16xf32>
        %add3A_522 = arith.constant 48 : i32
        %add3A_523 = arith.addi %multiple_of3A_353, %add3A_522 : i32
        %swap3A_524 = arith.constant 1 : i32
        %swap3A_525 = arith.index_cast %swap3A_524 : i32 to index
        %swap3A_526 = arith.index_cast %add3A_523 : i32 to index
        %swap3A_527 = tpu.vector_load %arg9[%swap3A_525, %swap3A_526] {strides = array<i32>} : memref<8x3200xf32, #tpu.memory_space<vmem>>, vector<1x16xf32>,
        %swap3A_528 = vector.shape_cast %swap3A_527 : vector<1x16xf32> to vector<16xf32>
        %swap3A_529 = vector.shape_cast %get3A_409 : vector<16xf32> to vector<1x16xf32>
        tpu.vector_store %arg9[%swap3A_525, %swap3A_526], %swap3A_529 {strides = array<i32>} : memref<8x3200xf32, #tpu.memory_space<vmem>>, vector<1x16xf32>,
        %add3A_530 = arith.constant 0 : i32
        %add3A_531 = arith.addi %multiple_of3A, %add3A_530 : i32
        %get3A_532 = arith.constant 4 : i32
        %get3A_533 = arith.index_cast %get3A_532 : i32 to index
        %get3A_534 = arith.index_cast %add3A_531 : i32 to index
        %get3A_535 = tpu.vector_load %arg7[%get3A_533, %get3A_534] {strides = array<i32>} : memref<8x6400xf32, #tpu.memory_space<vmem>>, vector<1x16xf32>,
        %get3A_536 = vector.shape_cast %get3A_535 : vector<1x16xf32> to vector<16xf32>
        %add3A_537 = arith.constant 0 : i32
        %add3A_538 = arith.addi %multiple_of3A_353, %add3A_537 : i32
        %swap3A_539 = arith.constant 2 : i32
        %swap3A_540 = arith.index_cast %swap3A_539 : i32 to index
        %swap3A_541 = arith.index_cast %add3A_538 : i32 to index
        %swap3A_542 = tpu.vector_load %arg9[%swap3A_540, %swap3A_541] {strides = array<i32>} : memref<8x3200xf32, #tpu.memory_space<vmem>>, vector<1x16xf32>,
        %swap3A_543 = vector.shape_cast %swap3A_542 : vector<1x16xf32> to vector<16xf32>
        %swap3A_544 = vector.shape_cast %get3A_416 : vector<16xf32> to vector<1x16xf32>
        tpu.vector_store %arg9[%swap3A_540, %swap3A_541], %swap3A_544 {strides = array<i32>} : memref<8x3200xf32, #tpu.memory_space<vmem>>, vector<1x16xf32>,
        %add3A_545 = arith.constant 16 : i32
        %add3A_546 = arith.addi %multiple_of3A, %add3A_545 : i32
        %get3A_547 = arith.constant 4 : i32
        %get3A_548 = arith.index_cast %get3A_547 : i32 to index
        %get3A_549 = arith.index_cast %add3A_546 : i32 to index
        %get3A_550 = tpu.vector_load %arg7[%get3A_548, %get3A_549] {strides = array<i32>} : memref<8x6400xf32, #tpu.memory_space<vmem>>, vector<1x16xf32>,
        %get3A_551 = vector.shape_cast %get3A_550 : vector<1x16xf32> to vector<16xf32>
        %add3A_552 = arith.constant 16 : i32
        %add3A_553 = arith.addi %multiple_of3A_353, %add3A_552 : i32
        %swap3A_554 = arith.constant 2 : i32
        %swap3A_555 = arith.index_cast %swap3A_554 : i32 to index
        %swap3A_556 = arith.index_cast %add3A_553 : i32 to index
        %swap3A_557 = tpu.vector_load %arg9[%swap3A_555, %swap3A_556] {strides = array<i32>} : memref<8x3200xf32, #tpu.memory_space<vmem>>, vector<1x16xf32>,
        %swap3A_558 = vector.shape_cast %swap3A_557 : vector<1x16xf32> to vector<16xf32>
        %swap3A_559 = vector.shape_cast %get3A_431 : vector<16xf32> to vector<1x16xf32>
        tpu.vector_store %arg9[%swap3A_555, %swap3A_556], %swap3A_559 {strides = array<i32>} : memref<8x3200xf32, #tpu.memory_space<vmem>>, vector<1x16xf32>,
        %add3A_560 = arith.constant 32 : i32
        %add3A_561 = arith.addi %multiple_of3A, %add3A_560 : i32
        %get3A_562 = arith.constant 4 : i32
        %get3A_563 = arith.index_cast %get3A_562 : i32 to index
        %get3A_564 = arith.index_cast %add3A_561 : i32 to index
        %get3A_565 = tpu.vector_load %arg7[%get3A_563, %get3A_564] {strides = array<i32>} : memref<8x6400xf32, #tpu.memory_space<vmem>>, vector<1x16xf32>,
        %get3A_566 = vector.shape_cast %get3A_565 : vector<1x16xf32> to vector<16xf32>
        %add3A_567 = arith.constant 32 : i32
        %add3A_568 = arith.addi %multiple_of3A_353, %add3A_567 : i32
        %swap3A_569 = arith.constant 2 : i32
        %swap3A_570 = arith.index_cast %swap3A_569 : i32 to index
        %swap3A_571 = arith.index_cast %add3A_568 : i32 to index
        %swap3A_572 = tpu.vector_load %arg9[%swap3A_570, %swap3A_571] {strides = array<i32>} : memref<8x3200xf32, #tpu.memory_space<vmem>>, vector<1x16xf32>,
        %swap3A_573 = vector.shape_cast %swap3A_572 : vector<1x16xf32> to vector<16xf32>
        %swap3A_574 = vector.shape_cast %get3A_446 : vector<16xf32> to vector<1x16xf32>
        tpu.vector_store %arg9[%swap3A_570, %swap3A_571], %swap3A_574 {strides = array<i32>} : memref<8x3200xf32, #tpu.memory_space<vmem>>, vector<1x16xf32>,
        %add3A_575 = arith.constant 48 : i32
        %add3A_576 = arith.addi %multiple_of3A, %add3A_575 : i32
        %get3A_577 = arith.constant 4 : i32
        %get3A_578 = arith.index_cast %get3A_577 : i32 to index
        %get3A_579 = arith.index_cast %add3A_576 : i32 to index
        %get3A_580 = tpu.vector_load %arg7[%get3A_578, %get3A_579] {strides = array<i32>} : memref<8x6400xf32, #tpu.memory_space<vmem>>, vector<1x16xf32>,
        %get3A_581 = vector.shape_cast %get3A_580 : vector<1x16xf32> to vector<16xf32>
        %add3A_582 = arith.constant 48 : i32
        %add3A_583 = arith.addi %multiple_of3A_353, %add3A_582 : i32
        %swap3A_584 = arith.constant 2 : i32
        %swap3A_585 = arith.index_cast %swap3A_584 : i32 to index
        %swap3A_586 = arith.index_cast %add3A_583 : i32 to index
        %swap3A_587 = tpu.vector_load %arg9[%swap3A_585, %swap3A_586] {strides = array<i32>} : memref<8x3200xf32, #tpu.memory_space<vmem>>, vector<1x16xf32>,
        %swap3A_588 = vector.shape_cast %swap3A_587 : vector<1x16xf32> to vector<16xf32>
        %swap3A_589 = vector.shape_cast %get3A_461 : vector<16xf32> to vector<1x16xf32>
        tpu.vector_store %arg9[%swap3A_585, %swap3A_586], %swap3A_589 {strides = array<i32>} : memref<8x3200xf32, #tpu.memory_space<vmem>>, vector<1x16xf32>,
        %add3A_590 = arith.constant 0 : i32
        %add3A_591 = arith.addi %multiple_of3A, %add3A_590 : i32
        %get3A_592 = arith.constant 5 : i32
        %get3A_593 = arith.index_cast %get3A_592 : i32 to index
        %get3A_594 = arith.index_cast %add3A_591 : i32 to index
        %get3A_595 = tpu.vector_load %arg7[%get3A_593, %get3A_594] {strides = array<i32>} : memref<8x6400xf32, #tpu.memory_space<vmem>>, vector<1x16xf32>,
        %get3A_596 = vector.shape_cast %get3A_595 : vector<1x16xf32> to vector<16xf32>
        %add3A_597 = arith.constant 0 : i32
        %add3A_598 = arith.addi %multiple_of3A_353, %add3A_597 : i32
        %swap3A_599 = arith.constant 3 : i32
        %swap3A_600 = arith.index_cast %swap3A_599 : i32 to index
        %swap3A_601 = arith.index_cast %add3A_598 : i32 to index
        %swap3A_602 = tpu.vector_load %arg9[%swap3A_600, %swap3A_601] {strides = array<i32>} : memref<8x3200xf32, #tpu.memory_space<vmem>>, vector<1x16xf32>,
        %swap3A_603 = vector.shape_cast %swap3A_602 : vector<1x16xf32> to vector<16xf32>
        %swap3A_604 = vector.shape_cast %get3A_476 : vector<16xf32> to vector<1x16xf32>
        tpu.vector_store %arg9[%swap3A_600, %swap3A_601], %swap3A_604 {strides = array<i32>} : memref<8x3200xf32, #tpu.memory_space<vmem>>, vector<1x16xf32>,
        %add3A_605 = arith.constant 16 : i32
        %add3A_606 = arith.addi %multiple_of3A, %add3A_605 : i32
        %get3A_607 = arith.constant 5 : i32
        %get3A_608 = arith.index_cast %get3A_607 : i32 to index
        %get3A_609 = arith.index_cast %add3A_606 : i32 to index
        %get3A_610 = tpu.vector_load %arg7[%get3A_608, %get3A_609] {strides = array<i32>} : memref<8x6400xf32, #tpu.memory_space<vmem>>, vector<1x16xf32>,
        %get3A_611 = vector.shape_cast %get3A_610 : vector<1x16xf32> to vector<16xf32>
        %add3A_612 = arith.constant 16 : i32
        %add3A_613 = arith.addi %multiple_of3A_353, %add3A_612 : i32
        %swap3A_614 = arith.constant 3 : i32
        %swap3A_615 = arith.index_cast %swap3A_614 : i32 to index
        %swap3A_616 = arith.index_cast %add3A_613 : i32 to index
        %swap3A_617 = tpu.vector_load %arg9[%swap3A_615, %swap3A_616] {strides = array<i32>} : memref<8x3200xf32, #tpu.memory_space<vmem>>, vector<1x16xf32>,
        %swap3A_618 = vector.shape_cast %swap3A_617 : vector<1x16xf32> to vector<16xf32>
        %swap3A_619 = vector.shape_cast %get3A_491 : vector<16xf32> to vector<1x16xf32>
        tpu.vector_store %arg9[%swap3A_615, %swap3A_616], %swap3A_619 {strides = array<i32>} : memref<8x3200xf32, #tpu.memory_space<vmem>>, vector<1x16xf32>,
        %add3A_620 = arith.constant 32 : i32
        %add3A_621 = arith.addi %multiple_of3A, %add3A_620 : i32
        %get3A_622 = arith.constant 5 : i32
        %get3A_623 = arith.index_cast %get3A_622 : i32 to index
        %get3A_624 = arith.index_cast %add3A_621 : i32 to index
        %get3A_625 = tpu.vector_load %arg7[%get3A_623, %get3A_624] {strides = array<i32>} : memref<8x6400xf32, #tpu.memory_space<vmem>>, vector<1x16xf32>,
        %get3A_626 = vector.shape_cast %get3A_625 : vector<1x16xf32> to vector<16xf32>
        %add3A_627 = arith.constant 32 : i32
        %add3A_628 = arith.addi %multiple_of3A_353, %add3A_627 : i32
        %swap3A_629 = arith.constant 3 : i32
        %swap3A_630 = arith.index_cast %swap3A_629 : i32 to index
        %swap3A_631 = arith.index_cast %add3A_628 : i32 to index
        %swap3A_632 = tpu.vector_load %arg9[%swap3A_630, %swap3A_631] {strides = array<i32>} : memref<8x3200xf32, #tpu.memory_space<vmem>>, vector<1x16xf32>,
        %swap3A_633 = vector.shape_cast %swap3A_632 : vector<1x16xf32> to vector<16xf32>
        %swap3A_634 = vector.shape_cast %get3A_506 : vector<16xf32> to vector<1x16xf32>
        tpu.vector_store %arg9[%swap3A_630, %swap3A_631], %swap3A_634 {strides = array<i32>} : memref<8x3200xf32, #tpu.memory_space<vmem>>, vector<1x16xf32>,
        %add3A_635 = arith.constant 48 : i32
        %add3A_636 = arith.addi %multiple_of3A, %add3A_635 : i32
        %get3A_637 = arith.constant 5 : i32
        %get3A_638 = arith.index_cast %get3A_637 : i32 to index
        %get3A_639 = arith.index_cast %add3A_636 : i32 to index
        %get3A_640 = tpu.vector_load %arg7[%get3A_638, %get3A_639] {strides = array<i32>} : memref<8x6400xf32, #tpu.memory_space<vmem>>, vector<1x16xf32>,
        %get3A_641 = vector.shape_cast %get3A_640 : vector<1x16xf32> to vector<16xf32>
        %add3A_642 = arith.constant 48 : i32
        %add3A_643 = arith.addi %multiple_of3A_353, %add3A_642 : i32
        %swap3A_644 = arith.constant 3 : i32
        %swap3A_645 = arith.index_cast %swap3A_644 : i32 to index
        %swap3A_646 = arith.index_cast %add3A_643 : i32 to index
        %swap3A_647 = tpu.vector_load %arg9[%swap3A_645, %swap3A_646] {strides = array<i32>} : memref<8x3200xf32, #tpu.memory_space<vmem>>, vector<1x16xf32>,
        %swap3A_648 = vector.shape_cast %swap3A_647 : vector<1x16xf32> to vector<16xf32>
        %swap3A_649 = vector.shape_cast %get3A_521 : vector<16xf32> to vector<1x16xf32>
        tpu.vector_store %arg9[%swap3A_645, %swap3A_646], %swap3A_649 {strides = array<i32>} : memref<8x3200xf32, #tpu.memory_space<vmem>>, vector<1x16xf32>,
        %add3A_650 = arith.constant 0 : i32
        %add3A_651 = arith.addi %multiple_of3A, %add3A_650 : i32
        %get3A_652 = arith.constant 6 : i32
        %get3A_653 = arith.index_cast %get3A_652 : i32 to index
        %get3A_654 = arith.index_cast %add3A_651 : i32 to index
        %get3A_655 = tpu.vector_load %arg7[%get3A_653, %get3A_654] {strides = array<i32>} : memref<8x6400xf32, #tpu.memory_space<vmem>>, vector<1x16xf32>,
        %get3A_656 = vector.shape_cast %get3A_655 : vector<1x16xf32> to vector<16xf32>
        %add3A_657 = arith.constant 0 : i32
        %add3A_658 = arith.addi %multiple_of3A_353, %add3A_657 : i32
        %swap3A_659 = arith.constant 4 : i32
        %swap3A_660 = arith.index_cast %swap3A_659 : i32 to index
        %swap3A_661 = arith.index_cast %add3A_658 : i32 to index
        %swap3A_662 = tpu.vector_load %arg9[%swap3A_660, %swap3A_661] {strides = array<i32>} : memref<8x3200xf32, #tpu.memory_space<vmem>>, vector<1x16xf32>,
        %swap3A_663 = vector.shape_cast %swap3A_662 : vector<1x16xf32> to vector<16xf32>
        %swap3A_664 = vector.shape_cast %get3A_536 : vector<16xf32> to vector<1x16xf32>
        tpu.vector_store %arg9[%swap3A_660, %swap3A_661], %swap3A_664 {strides = array<i32>} : memref<8x3200xf32, #tpu.memory_space<vmem>>, vector<1x16xf32>,
        %add3A_665 = arith.constant 16 : i32
        %add3A_666 = arith.addi %multiple_of3A, %add3A_665 : i32
        %get3A_667 = arith.constant 6 : i32
        %get3A_668 = arith.index_cast %get3A_667 : i32 to index
        %get3A_669 = arith.index_cast %add3A_666 : i32 to index
        %get3A_670 = tpu.vector_load %arg7[%get3A_668, %get3A_669] {strides = array<i32>} : memref<8x6400xf32, #tpu.memory_space<vmem>>, vector<1x16xf32>,
        %get3A_671 = vector.shape_cast %get3A_670 : vector<1x16xf32> to vector<16xf32>
        %add3A_672 = arith.constant 16 : i32
        %add3A_673 = arith.addi %multiple_of3A_353, %add3A_672 : i32
        %swap3A_674 = arith.constant 4 : i32
        %swap3A_675 = arith.index_cast %swap3A_674 : i32 to index
        %swap3A_676 = arith.index_cast %add3A_673 : i32 to index
        %swap3A_677 = tpu.vector_load %arg9[%swap3A_675, %swap3A_676] {strides = array<i32>} : memref<8x3200xf32, #tpu.memory_space<vmem>>, vector<1x16xf32>,
        %swap3A_678 = vector.shape_cast %swap3A_677 : vector<1x16xf32> to vector<16xf32>
        %swap3A_679 = vector.shape_cast %get3A_551 : vector<16xf32> to vector<1x16xf32>
        tpu.vector_store %arg9[%swap3A_675, %swap3A_676], %swap3A_679 {strides = array<i32>} : memref<8x3200xf32, #tpu.memory_space<vmem>>, vector<1x16xf32>,
        %add3A_680 = arith.constant 32 : i32
        %add3A_681 = arith.addi %multiple_of3A, %add3A_680 : i32
        %get3A_682 = arith.constant 6 : i32
        %get3A_683 = arith.index_cast %get3A_682 : i32 to index
        %get3A_684 = arith.index_cast %add3A_681 : i32 to index
        %get3A_685 = tpu.vector_load %arg7[%get3A_683, %get3A_684] {strides = array<i32>} : memref<8x6400xf32, #tpu.memory_space<vmem>>, vector<1x16xf32>,
        %get3A_686 = vector.shape_cast %get3A_685 : vector<1x16xf32> to vector<16xf32>
        %add3A_687 = arith.constant 32 : i32
        %add3A_688 = arith.addi %multiple_of3A_353, %add3A_687 : i32
        %swap3A_689 = arith.constant 4 : i32
        %swap3A_690 = arith.index_cast %swap3A_689 : i32 to index
        %swap3A_691 = arith.index_cast %add3A_688 : i32 to index
        %swap3A_692 = tpu.vector_load %arg9[%swap3A_690, %swap3A_691] {strides = array<i32>} : memref<8x3200xf32, #tpu.memory_space<vmem>>, vector<1x16xf32>,
        %swap3A_693 = vector.shape_cast %swap3A_692 : vector<1x16xf32> to vector<16xf32>
        %swap3A_694 = vector.shape_cast %get3A_566 : vector<16xf32> to vector<1x16xf32>
        tpu.vector_store %arg9[%swap3A_690, %swap3A_691], %swap3A_694 {strides = array<i32>} : memref<8x3200xf32, #tpu.memory_space<vmem>>, vector<1x16xf32>,
        %add3A_695 = arith.constant 48 : i32
        %add3A_696 = arith.addi %multiple_of3A, %add3A_695 : i32
        %get3A_697 = arith.constant 6 : i32
        %get3A_698 = arith.index_cast %get3A_697 : i32 to index
        %get3A_699 = arith.index_cast %add3A_696 : i32 to index
        %get3A_700 = tpu.vector_load %arg7[%get3A_698, %get3A_699] {strides = array<i32>} : memref<8x6400xf32, #tpu.memory_space<vmem>>, vector<1x16xf32>,
        %get3A_701 = vector.shape_cast %get3A_700 : vector<1x16xf32> to vector<16xf32>
        %add3A_702 = arith.constant 48 : i32
        %add3A_703 = arith.addi %multiple_of3A_353, %add3A_702 : i32
        %swap3A_704 = arith.constant 4 : i32
        %swap3A_705 = arith.index_cast %swap3A_704 : i32 to index
        %swap3A_706 = arith.index_cast %add3A_703 : i32 to index
        %swap3A_707 = tpu.vector_load %arg9[%swap3A_705, %swap3A_706] {strides = array<i32>} : memref<8x3200xf32, #tpu.memory_space<vmem>>, vector<1x16xf32>,
        %swap3A_708 = vector.shape_cast %swap3A_707 : vector<1x16xf32> to vector<16xf32>
        %swap3A_709 = vector.shape_cast %get3A_581 : vector<16xf32> to vector<1x16xf32>
        tpu.vector_store %arg9[%swap3A_705, %swap3A_706], %swap3A_709 {strides = array<i32>} : memref<8x3200xf32, #tpu.memory_space<vmem>>, vector<1x16xf32>,
        %add3A_710 = arith.constant 0 : i32
        %add3A_711 = arith.addi %multiple_of3A, %add3A_710 : i32
        %get3A_712 = arith.constant 7 : i32
        %get3A_713 = arith.index_cast %get3A_712 : i32 to index
        %get3A_714 = arith.index_cast %add3A_711 : i32 to index
        %get3A_715 = tpu.vector_load %arg7[%get3A_713, %get3A_714] {strides = array<i32>} : memref<8x6400xf32, #tpu.memory_space<vmem>>, vector<1x16xf32>,
        %get3A_716 = vector.shape_cast %get3A_715 : vector<1x16xf32> to vector<16xf32>
        %add3A_717 = arith.constant 0 : i32
        %add3A_718 = arith.addi %multiple_of3A_353, %add3A_717 : i32
        %swap3A_719 = arith.constant 5 : i32
        %swap3A_720 = arith.index_cast %swap3A_719 : i32 to index
        %swap3A_721 = arith.index_cast %add3A_718 : i32 to index
        %swap3A_722 = tpu.vector_load %arg9[%swap3A_720, %swap3A_721] {strides = array<i32>} : memref<8x3200xf32, #tpu.memory_space<vmem>>, vector<1x16xf32>,
        %swap3A_723 = vector.shape_cast %swap3A_722 : vector<1x16xf32> to vector<16xf32>
        %swap3A_724 = vector.shape_cast %get3A_596 : vector<16xf32> to vector<1x16xf32>
        tpu.vector_store %arg9[%swap3A_720, %swap3A_721], %swap3A_724 {strides = array<i32>} : memref<8x3200xf32, #tpu.memory_space<vmem>>, vector<1x16xf32>,
        %add3A_725 = arith.constant 16 : i32
        %add3A_726 = arith.addi %multiple_of3A, %add3A_725 : i32
        %get3A_727 = arith.constant 7 : i32
        %get3A_728 = arith.index_cast %get3A_727 : i32 to index
        %get3A_729 = arith.index_cast %add3A_726 : i32 to index
        %get3A_730 = tpu.vector_load %arg7[%get3A_728, %get3A_729] {strides = array<i32>} : memref<8x6400xf32, #tpu.memory_space<vmem>>, vector<1x16xf32>,
        %get3A_731 = vector.shape_cast %get3A_730 : vector<1x16xf32> to vector<16xf32>
        %add3A_732 = arith.constant 16 : i32
        %add3A_733 = arith.addi %multiple_of3A_353, %add3A_732 : i32
        %swap3A_734 = arith.constant 5 : i32
        %swap3A_735 = arith.index_cast %swap3A_734 : i32 to index
        %swap3A_736 = arith.index_cast %add3A_733 : i32 to index
        %swap3A_737 = tpu.vector_load %arg9[%swap3A_735, %swap3A_736] {strides = array<i32>} : memref<8x3200xf32, #tpu.memory_space<vmem>>, vector<1x16xf32>,
        %swap3A_738 = vector.shape_cast %swap3A_737 : vector<1x16xf32> to vector<16xf32>
        %swap3A_739 = vector.shape_cast %get3A_611 : vector<16xf32> to vector<1x16xf32>
        tpu.vector_store %arg9[%swap3A_735, %swap3A_736], %swap3A_739 {strides = array<i32>} : memref<8x3200xf32, #tpu.memory_space<vmem>>, vector<1x16xf32>,
        %add3A_740 = arith.constant 32 : i32
        %add3A_741 = arith.addi %multiple_of3A, %add3A_740 : i32
        %get3A_742 = arith.constant 7 : i32
        %get3A_743 = arith.index_cast %get3A_742 : i32 to index
        %get3A_744 = arith.index_cast %add3A_741 : i32 to index
        %get3A_745 = tpu.vector_load %arg7[%get3A_743, %get3A_744] {strides = array<i32>} : memref<8x6400xf32, #tpu.memory_space<vmem>>, vector<1x16xf32>,
        %get3A_746 = vector.shape_cast %get3A_745 : vector<1x16xf32> to vector<16xf32>
        %add3A_747 = arith.constant 32 : i32
        %add3A_748 = arith.addi %multiple_of3A_353, %add3A_747 : i32
        %swap3A_749 = arith.constant 5 : i32
        %swap3A_750 = arith.index_cast %swap3A_749 : i32 to index
        %swap3A_751 = arith.index_cast %add3A_748 : i32 to index
        %swap3A_752 = tpu.vector_load %arg9[%swap3A_750, %swap3A_751] {strides = array<i32>} : memref<8x3200xf32, #tpu.memory_space<vmem>>, vector<1x16xf32>,
        %swap3A_753 = vector.shape_cast %swap3A_752 : vector<1x16xf32> to vector<16xf32>
        %swap3A_754 = vector.shape_cast %get3A_626 : vector<16xf32> to vector<1x16xf32>
        tpu.vector_store %arg9[%swap3A_750, %swap3A_751], %swap3A_754 {strides = array<i32>} : memref<8x3200xf32, #tpu.memory_space<vmem>>, vector<1x16xf32>,
        %add3A_755 = arith.constant 48 : i32
        %add3A_756 = arith.addi %multiple_of3A, %add3A_755 : i32
        %get3A_757 = arith.constant 7 : i32
        %get3A_758 = arith.index_cast %get3A_757 : i32 to index
        %get3A_759 = arith.index_cast %add3A_756 : i32 to index
        %get3A_760 = tpu.vector_load %arg7[%get3A_758, %get3A_759] {strides = array<i32>} : memref<8x6400xf32, #tpu.memory_space<vmem>>, vector<1x16xf32>,
        %get3A_761 = vector.shape_cast %get3A_760 : vector<1x16xf32> to vector<16xf32>
        %add3A_762 = arith.constant 48 : i32
        %add3A_763 = arith.addi %multiple_of3A_353, %add3A_762 : i32
        %swap3A_764 = arith.constant 5 : i32
        %swap3A_765 = arith.index_cast %swap3A_764 : i32 to index
        %swap3A_766 = arith.index_cast %add3A_763 : i32 to index
        %swap3A_767 = tpu.vector_load %arg9[%swap3A_765, %swap3A_766] {strides = array<i32>} : memref<8x3200xf32, #tpu.memory_space<vmem>>, vector<1x16xf32>,
        %swap3A_768 = vector.shape_cast %swap3A_767 : vector<1x16xf32> to vector<16xf32>
        %swap3A_769 = vector.shape_cast %get3A_641 : vector<16xf32> to vector<1x16xf32>
        tpu.vector_store %arg9[%swap3A_765, %swap3A_766], %swap3A_769 {strides = array<i32>} : memref<8x3200xf32, #tpu.memory_space<vmem>>, vector<1x16xf32>,
        %add3A_770 = arith.constant 0 : i32
        %add3A_771 = arith.addi %multiple_of3A_353, %add3A_770 : i32
        %swap3A_772 = arith.constant 6 : i32
        %swap3A_773 = arith.index_cast %swap3A_772 : i32 to index
        %swap3A_774 = arith.index_cast %add3A_771 : i32 to index
        %swap3A_775 = tpu.vector_load %arg9[%swap3A_773, %swap3A_774] {strides = array<i32>} : memref<8x3200xf32, #tpu.memory_space<vmem>>, vector<1x16xf32>,
        %swap3A_776 = vector.shape_cast %swap3A_775 : vector<1x16xf32> to vector<16xf32>
        %swap3A_777 = vector.shape_cast %get3A_656 : vector<16xf32> to vector<1x16xf32>
        tpu.vector_store %arg9[%swap3A_773, %swap3A_774], %swap3A_777 {strides = array<i32>} : memref<8x3200xf32, #tpu.memory_space<vmem>>, vector<1x16xf32>,
        %add3A_778 = arith.constant 16 : i32
        %add3A_779 = arith.addi %multiple_of3A_353, %add3A_778 : i32
        %swap3A_780 = arith.constant 6 : i32
        %swap3A_781 = arith.index_cast %swap3A_780 : i32 to index
        %swap3A_782 = arith.index_cast %add3A_779 : i32 to index
        %swap3A_783 = tpu.vector_load %arg9[%swap3A_781, %swap3A_782] {strides = array<i32>} : memref<8x3200xf32, #tpu.memory_space<vmem>>, vector<1x16xf32>,
        %swap3A_784 = vector.shape_cast %swap3A_783 : vector<1x16xf32> to vector<16xf32>
        %swap3A_785 = vector.shape_cast %get3A_671 : vector<16xf32> to vector<1x16xf32>
        tpu.vector_store %arg9[%swap3A_781, %swap3A_782], %swap3A_785 {strides = array<i32>} : memref<8x3200xf32, #tpu.memory_space<vmem>>, vector<1x16xf32>,
        %add3A_786 = arith.constant 32 : i32
        %add3A_787 = arith.addi %multiple_of3A_353, %add3A_786 : i32
        %swap3A_788 = arith.constant 6 : i32
        %swap3A_789 = arith.index_cast %swap3A_788 : i32 to index
        %swap3A_790 = arith.index_cast %add3A_787 : i32 to index
        %swap3A_791 = tpu.vector_load %arg9[%swap3A_789, %swap3A_790] {strides = array<i32>} : memref<8x3200xf32, #tpu.memory_space<vmem>>, vector<1x16xf32>,
        %swap3A_792 = vector.shape_cast %swap3A_791 : vector<1x16xf32> to vector<16xf32>
        %swap3A_793 = vector.shape_cast %get3A_686 : vector<16xf32> to vector<1x16xf32>
        tpu.vector_store %arg9[%swap3A_789, %swap3A_790], %swap3A_793 {strides = array<i32>} : memref<8x3200xf32, #tpu.memory_space<vmem>>, vector<1x16xf32>,
        %add3A_794 = arith.constant 48 : i32
        %add3A_795 = arith.addi %multiple_of3A_353, %add3A_794 : i32
        %swap3A_796 = arith.constant 6 : i32
        %swap3A_797 = arith.index_cast %swap3A_796 : i32 to index
        %swap3A_798 = arith.index_cast %add3A_795 : i32 to index
        %swap3A_799 = tpu.vector_load %arg9[%swap3A_797, %swap3A_798] {strides = array<i32>} : memref<8x3200xf32, #tpu.memory_space<vmem>>, vector<1x16xf32>,
        %swap3A_800 = vector.shape_cast %swap3A_799 : vector<1x16xf32> to vector<16xf32>
        %swap3A_801 = vector.shape_cast %get3A_701 : vector<16xf32> to vector<1x16xf32>
        tpu.vector_store %arg9[%swap3A_797, %swap3A_798], %swap3A_801 {strides = array<i32>} : memref<8x3200xf32, #tpu.memory_space<vmem>>, vector<1x16xf32>,
        %add3A_802 = arith.constant 0 : i32
        %add3A_803 = arith.addi %multiple_of3A_353, %add3A_802 : i32
        %swap3A_804 = arith.constant 7 : i32
        %swap3A_805 = arith.index_cast %swap3A_804 : i32 to index
        %swap3A_806 = arith.index_cast %add3A_803 : i32 to index
        %swap3A_807 = tpu.vector_load %arg9[%swap3A_805, %swap3A_806] {strides = array<i32>} : memref<8x3200xf32, #tpu.memory_space<vmem>>, vector<1x16xf32>,
        %swap3A_808 = vector.shape_cast %swap3A_807 : vector<1x16xf32> to vector<16xf32>
        %swap3A_809 = vector.shape_cast %get3A_716 : vector<16xf32> to vector<1x16xf32>
        tpu.vector_store %arg9[%swap3A_805, %swap3A_806], %swap3A_809 {strides = array<i32>} : memref<8x3200xf32, #tpu.memory_space<vmem>>, vector<1x16xf32>,
        %add3A_810 = arith.constant 16 : i32
        %add3A_811 = arith.addi %multiple_of3A_353, %add3A_810 : i32
        %swap3A_812 = arith.constant 7 : i32
        %swap3A_813 = arith.index_cast %swap3A_812 : i32 to index
        %swap3A_814 = arith.index_cast %add3A_811 : i32 to index
        %swap3A_815 = tpu.vector_load %arg9[%swap3A_813, %swap3A_814] {strides = array<i32>} : memref<8x3200xf32, #tpu.memory_space<vmem>>, vector<1x16xf32>,
        %swap3A_816 = vector.shape_cast %swap3A_815 : vector<1x16xf32> to vector<16xf32>
        %swap3A_817 = vector.shape_cast %get3A_731 : vector<16xf32> to vector<1x16xf32>
        tpu.vector_store %arg9[%swap3A_813, %swap3A_814], %swap3A_817 {strides = array<i32>} : memref<8x3200xf32, #tpu.memory_space<vmem>>, vector<1x16xf32>,
        %add3A_818 = arith.constant 32 : i32
        %add3A_819 = arith.addi %multiple_of3A_353, %add3A_818 : i32
        %swap3A_820 = arith.constant 7 : i32
        %swap3A_821 = arith.index_cast %swap3A_820 : i32 to index
        %swap3A_822 = arith.index_cast %add3A_819 : i32 to index
        %swap3A_823 = tpu.vector_load %arg9[%swap3A_821, %swap3A_822] {strides = array<i32>} : memref<8x3200xf32, #tpu.memory_space<vmem>>, vector<1x16xf32>,
        %swap3A_824 = vector.shape_cast %swap3A_823 : vector<1x16xf32> to vector<16xf32>
        %swap3A_825 = vector.shape_cast %get3A_746 : vector<16xf32> to vector<1x16xf32>
        tpu.vector_store %arg9[%swap3A_821, %swap3A_822], %swap3A_825 {strides = array<i32>} : memref<8x3200xf32, #tpu.memory_space<vmem>>, vector<1x16xf32>,
        %add3A_826 = arith.constant 48 : i32
        %add3A_827 = arith.addi %multiple_of3A_353, %add3A_826 : i32
        %swap3A_828 = arith.constant 7 : i32
        %swap3A_829 = arith.index_cast %swap3A_828 : i32 to index
        %swap3A_830 = arith.index_cast %add3A_827 : i32 to index
        %swap3A_831 = tpu.vector_load %arg9[%swap3A_829, %swap3A_830] {strides = array<i32>} : memref<8x3200xf32, #tpu.memory_space<vmem>>, vector<1x16xf32>,
        %swap3A_832 = vector.shape_cast %swap3A_831 : vector<1x16xf32> to vector<16xf32>
        %swap3A_833 = vector.shape_cast %get3A_761 : vector<16xf32> to vector<1x16xf32>
        tpu.vector_store %arg9[%swap3A_829, %swap3A_830], %swap3A_833 {strides = array<i32>} : memref<8x3200xf32, #tpu.memory_space<vmem>>, vector<1x16xf32>,
      }
      %scan3A_303 = arith.constant 50 : i32
      %mul3A_304 = arith.constant 8 : i32
      %mul3A_305 = arith.muli %add3A_282, %mul3A_304 : i32
      %add3A_306 = arith.addi %mul3A_2, %mul3A_305 : i32
      %dma_start3A_307 = arith.constant 0 : i32
      %dma_start3A_308 = tpu.memref_slice %arg4[%add3A_306, %dma_start3A_307] : memref<16384x3200xf32, #tpu.memory_space<hbm>> -> memref<8x3200xf32, #tpu.memory_space<hbm>>
      %dma_start3A_309 = arith.constant 0 : i32
      %dma_start3A_310 = tpu.memref_slice %arg4[%add3A_306, %dma_start3A_309] : memref<16384x3200xf32, #tpu.memory_space<hbm>> -> memref<8x3200xf32, #tpu.memory_space<hbm>>
      tpu.enqueue_dma source(%arg9 : memref<8x3200xf32, #tpu.memory_space<vmem>>) target(%dma_start3A_310 : memref<8x3200xf32, #tpu.memory_space<hbm>>) target_semaphore(%arg12 : memref<!tpu.dma_semaphore, #tpu.memory_space<semaphore_mem>>)
      %mul3A_311 = arith.constant 2 : i32
      %mul3A_312 = arith.muli %scan3A_277, %mul3A_311 : i32
      %add3A_313 = arith.constant 1 : i32
      %add3A_314 = arith.addi %mul3A_312, %add3A_313 : i32
      %add3A_315 = arith.constant 1 : i32
      %add3A_316 = arith.addi %add3A_314, %add3A_315 : i32
      %lt3A_317 = arith.constant 64 : i32
      %lt3A_318 = arith.cmpi slt, %add3A_316, %lt3A_317 : i32
      %convert_element_type3A_319 = arith.extui %lt3A_318 : i1 to i32
      %cond3A_320 = arith.constant 0 : i32
      %cond3A_321 = arith.cmpi ne, %convert_element_type3A_319, %cond3A_320 : i32
      scf.if %cond3A_321 {
        %add3A_348 = arith.constant 1 : i32
        %add3A_349 = arith.addi %add3A_314, %add3A_348 : i32
        %mul3A_350 = arith.constant 8 : i32
        %mul3A_351 = arith.muli %add3A_349, %mul3A_350 : i32
        %add3A_352 = arith.addi %mul3A_2, %mul3A_351 : i32
        %dma_start3A_353 = arith.constant 0 : i32
        %dma_start3A_354 = tpu.memref_slice %arg2[%add3A_352, %dma_start3A_353] : memref<16384x6400xf32, #tpu.memory_space<hbm>> -> memref<8x6400xf32, #tpu.memory_space<hbm>>
        %dma_start3A_355 = arith.constant 0 : i32
        %dma_start3A_356 = tpu.memref_slice %arg2[%add3A_352, %dma_start3A_355] : memref<16384x6400xf32, #tpu.memory_space<hbm>> -> memref<8x6400xf32, #tpu.memory_space<hbm>>
        tpu.enqueue_dma source(%dma_start3A_356 : memref<8x6400xf32, #tpu.memory_space<hbm>>) target(%arg7 : memref<8x6400xf32, #tpu.memory_space<vmem>>) target_semaphore(%arg10 : memref<!tpu.dma_semaphore, #tpu.memory_space<semaphore_mem>>)
      } else {
      }
      %mul3A_322 = arith.constant 8 : i32
      %mul3A_323 = arith.muli %add3A_314, %mul3A_322 : i32
      %add3A_324 = arith.addi %mul3A_2, %mul3A_323 : i32
      %dma_wait3A_325 = arith.constant 0 : i32
      %dma_wait3A_326 = tpu.memref_slice %arg2[%add3A_324, %dma_wait3A_325] : memref<16384x6400xf32, #tpu.memory_space<hbm>> -> memref<8x6400xf32, #tpu.memory_space<hbm>>
      %dma_wait3A_327 = arith.constant 0 : i32
      %dma_wait3A_328 = tpu.memref_slice %arg2[%add3A_324, %dma_wait3A_327] : memref<16384x6400xf32, #tpu.memory_space<hbm>> -> memref<8x6400xf32, #tpu.memory_space<hbm>>
      tpu.wait_dma2 semaphore(%arg11 : memref<!tpu.dma_semaphore, #tpu.memory_space<semaphore_mem>>) src(%dma_wait3A_328 : memref<8x6400xf32, #tpu.memory_space<hbm>>) dst(%arg8 : memref<8x6400xf32, #tpu.memory_space<vmem>>)
      %ge3A_329 = arith.constant 1 : i32
      %ge3A_330 = arith.cmpi sge, %add3A_314, %ge3A_329 : i32
      %convert_element_type3A_331 = arith.extui %ge3A_330 : i1 to i32
      %cond3A_332 = arith.constant 0 : i32
      %cond3A_333 = arith.cmpi ne, %convert_element_type3A_331, %cond3A_332 : i32
      scf.if %cond3A_333 {
        %sub3A = arith.constant 1 : i32
        %sub3A_348 = arith.subi %add3A_314, %sub3A : i32
        %mul3A_349 = arith.constant 8 : i32
        %mul3A_350 = arith.muli %sub3A_348, %mul3A_349 : i32
        %add3A_351 = arith.addi %mul3A_2, %mul3A_350 : i32
        %dma_wait3A_352 = arith.constant 0 : i32
        %dma_wait3A_353 = tpu.memref_slice %arg4[%add3A_351, %dma_wait3A_352] : memref<16384x3200xf32, #tpu.memory_space<hbm>> -> memref<8x3200xf32, #tpu.memory_space<hbm>>
        %dma_wait3A_354 = arith.constant 0 : i32
        %dma_wait3A_355 = tpu.memref_slice %arg4[%add3A_351, %dma_wait3A_354] : memref<16384x3200xf32, #tpu.memory_space<hbm>> -> memref<8x3200xf32, #tpu.memory_space<hbm>>
        tpu.wait_dma2 semaphore(%arg12 : memref<!tpu.dma_semaphore, #tpu.memory_space<semaphore_mem>>) src(%arg9 : memref<8x3200xf32, #tpu.memory_space<vmem>>) dst(%dma_wait3A_355 : memref<8x3200xf32, #tpu.memory_space<hbm>>)
      } else {
      }
      %scan3A_334 = arith.constant 0 : i32
      %scan3A_335 = arith.constant 0 : i32
      %scan3A_336 = arith.constant 50 : i32
      %scan3A_337 = arith.addi %scan3A_335, %scan3A_336 : i32
      %scan3A_338 = arith.constant 1 : i32
      scf.for %scan3A_348 = %scan3A_335 to %scan3A_337 step %scan3A_338  : i32 {
        %get3A_349 = arith.index_cast %scan3A_348 : i32 to index
        %get3A_350 = memref.load %arg6[%get3A_349] : memref<64xi32, #tpu.memory_space<smem>>
        %multiple_of3A = tpu.assume_multiple %get3A_350, 64 : i32
        %mul3A_351 = arith.constant 64 : i32
        %mul3A_352 = arith.muli %scan3A_348, %mul3A_351 : i32
        %multiple_of3A_353 = tpu.assume_multiple %mul3A_352, 64 : i32
        %add3A_354 = arith.constant 0 : i32
        %add3A_355 = arith.addi %multiple_of3A, %add3A_354 : i32
        %get3A_356 = arith.constant 0 : i32
        %get3A_357 = arith.index_cast %get3A_356 : i32 to index
        %get3A_358 = arith.index_cast %add3A_355 : i32 to index
        %get3A_359 = tpu.vector_load %arg8[%get3A_357, %get3A_358] {strides = array<i32>} : memref<8x6400xf32, #tpu.memory_space<vmem>>, vector<1x16xf32>,
        %get3A_360 = vector.shape_cast %get3A_359 : vector<1x16xf32> to vector<16xf32>
        %add3A_361 = arith.constant 16 : i32
        %add3A_362 = arith.addi %multiple_of3A, %add3A_361 : i32
        %get3A_363 = arith.constant 0 : i32
        %get3A_364 = arith.index_cast %get3A_363 : i32 to index
        %get3A_365 = arith.index_cast %add3A_362 : i32 to index
        %get3A_366 = tpu.vector_load %arg8[%get3A_364, %get3A_365] {strides = array<i32>} : memref<8x6400xf32, #tpu.memory_space<vmem>>, vector<1x16xf32>,
        %get3A_367 = vector.shape_cast %get3A_366 : vector<1x16xf32> to vector<16xf32>
        %add3A_368 = arith.constant 32 : i32
        %add3A_369 = arith.addi %multiple_of3A, %add3A_368 : i32
        %get3A_370 = arith.constant 0 : i32
        %get3A_371 = arith.index_cast %get3A_370 : i32 to index
        %get3A_372 = arith.index_cast %add3A_369 : i32 to index
        %get3A_373 = tpu.vector_load %arg8[%get3A_371, %get3A_372] {strides = array<i32>} : memref<8x6400xf32, #tpu.memory_space<vmem>>, vector<1x16xf32>,
        %get3A_374 = vector.shape_cast %get3A_373 : vector<1x16xf32> to vector<16xf32>
        %add3A_375 = arith.constant 48 : i32
        %add3A_376 = arith.addi %multiple_of3A, %add3A_375 : i32
        %get3A_377 = arith.constant 0 : i32
        %get3A_378 = arith.index_cast %get3A_377 : i32 to index
        %get3A_379 = arith.index_cast %add3A_376 : i32 to index
        %get3A_380 = tpu.vector_load %arg8[%get3A_378, %get3A_379] {strides = array<i32>} : memref<8x6400xf32, #tpu.memory_space<vmem>>, vector<1x16xf32>,
        %get3A_381 = vector.shape_cast %get3A_380 : vector<1x16xf32> to vector<16xf32>
        %add3A_382 = arith.constant 0 : i32
        %add3A_383 = arith.addi %multiple_of3A, %add3A_382 : i32
        %get3A_384 = arith.constant 1 : i32
        %get3A_385 = arith.index_cast %get3A_384 : i32 to index
        %get3A_386 = arith.index_cast %add3A_383 : i32 to index
        %get3A_387 = tpu.vector_load %arg8[%get3A_385, %get3A_386] {strides = array<i32>} : memref<8x6400xf32, #tpu.memory_space<vmem>>, vector<1x16xf32>,
        %get3A_388 = vector.shape_cast %get3A_387 : vector<1x16xf32> to vector<16xf32>
        %add3A_389 = arith.constant 16 : i32
        %add3A_390 = arith.addi %multiple_of3A, %add3A_389 : i32
        %get3A_391 = arith.constant 1 : i32
        %get3A_392 = arith.index_cast %get3A_391 : i32 to index
        %get3A_393 = arith.index_cast %add3A_390 : i32 to index
        %get3A_394 = tpu.vector_load %arg8[%get3A_392, %get3A_393] {strides = array<i32>} : memref<8x6400xf32, #tpu.memory_space<vmem>>, vector<1x16xf32>,
        %get3A_395 = vector.shape_cast %get3A_394 : vector<1x16xf32> to vector<16xf32>
        %add3A_396 = arith.constant 32 : i32
        %add3A_397 = arith.addi %multiple_of3A, %add3A_396 : i32
        %get3A_398 = arith.constant 1 : i32
        %get3A_399 = arith.index_cast %get3A_398 : i32 to index
        %get3A_400 = arith.index_cast %add3A_397 : i32 to index
        %get3A_401 = tpu.vector_load %arg8[%get3A_399, %get3A_400] {strides = array<i32>} : memref<8x6400xf32, #tpu.memory_space<vmem>>, vector<1x16xf32>,
        %get3A_402 = vector.shape_cast %get3A_401 : vector<1x16xf32> to vector<16xf32>
        %add3A_403 = arith.constant 48 : i32
        %add3A_404 = arith.addi %multiple_of3A, %add3A_403 : i32
        %get3A_405 = arith.constant 1 : i32
        %get3A_406 = arith.index_cast %get3A_405 : i32 to index
        %get3A_407 = arith.index_cast %add3A_404 : i32 to index
        %get3A_408 = tpu.vector_load %arg8[%get3A_406, %get3A_407] {strides = array<i32>} : memref<8x6400xf32, #tpu.memory_space<vmem>>, vector<1x16xf32>,
        %get3A_409 = vector.shape_cast %get3A_408 : vector<1x16xf32> to vector<16xf32>
        %add3A_410 = arith.constant 0 : i32
        %add3A_411 = arith.addi %multiple_of3A, %add3A_410 : i32
        %get3A_412 = arith.constant 2 : i32
        %get3A_413 = arith.index_cast %get3A_412 : i32 to index
        %get3A_414 = arith.index_cast %add3A_411 : i32 to index
        %get3A_415 = tpu.vector_load %arg8[%get3A_413, %get3A_414] {strides = array<i32>} : memref<8x6400xf32, #tpu.memory_space<vmem>>, vector<1x16xf32>,
        %get3A_416 = vector.shape_cast %get3A_415 : vector<1x16xf32> to vector<16xf32>
        %add3A_417 = arith.constant 0 : i32
        %add3A_418 = arith.addi %multiple_of3A_353, %add3A_417 : i32
        %swap3A_419 = arith.constant 0 : i32
        %swap3A_420 = arith.index_cast %swap3A_419 : i32 to index
        %swap3A_421 = arith.index_cast %add3A_418 : i32 to index
        %swap3A_422 = tpu.vector_load %arg9[%swap3A_420, %swap3A_421] {strides = array<i32>} : memref<8x3200xf32, #tpu.memory_space<vmem>>, vector<1x16xf32>,
        %swap3A_423 = vector.shape_cast %swap3A_422 : vector<1x16xf32> to vector<16xf32>
        %swap3A_424 = vector.shape_cast %get3A_360 : vector<16xf32> to vector<1x16xf32>
        tpu.vector_store %arg9[%swap3A_420, %swap3A_421], %swap3A_424 {strides = array<i32>} : memref<8x3200xf32, #tpu.memory_space<vmem>>, vector<1x16xf32>,
        %add3A_425 = arith.constant 16 : i32
        %add3A_426 = arith.addi %multiple_of3A, %add3A_425 : i32
        %get3A_427 = arith.constant 2 : i32
        %get3A_428 = arith.index_cast %get3A_427 : i32 to index
        %get3A_429 = arith.index_cast %add3A_426 : i32 to index
        %get3A_430 = tpu.vector_load %arg8[%get3A_428, %get3A_429] {strides = array<i32>} : memref<8x6400xf32, #tpu.memory_space<vmem>>, vector<1x16xf32>,
        %get3A_431 = vector.shape_cast %get3A_430 : vector<1x16xf32> to vector<16xf32>
        %add3A_432 = arith.constant 16 : i32
        %add3A_433 = arith.addi %multiple_of3A_353, %add3A_432 : i32
        %swap3A_434 = arith.constant 0 : i32
        %swap3A_435 = arith.index_cast %swap3A_434 : i32 to index
        %swap3A_436 = arith.index_cast %add3A_433 : i32 to index
        %swap3A_437 = tpu.vector_load %arg9[%swap3A_435, %swap3A_436] {strides = array<i32>} : memref<8x3200xf32, #tpu.memory_space<vmem>>, vector<1x16xf32>,
        %swap3A_438 = vector.shape_cast %swap3A_437 : vector<1x16xf32> to vector<16xf32>
        %swap3A_439 = vector.shape_cast %get3A_367 : vector<16xf32> to vector<1x16xf32>
        tpu.vector_store %arg9[%swap3A_435, %swap3A_436], %swap3A_439 {strides = array<i32>} : memref<8x3200xf32, #tpu.memory_space<vmem>>, vector<1x16xf32>,
        %add3A_440 = arith.constant 32 : i32
        %add3A_441 = arith.addi %multiple_of3A, %add3A_440 : i32
        %get3A_442 = arith.constant 2 : i32
        %get3A_443 = arith.index_cast %get3A_442 : i32 to index
        %get3A_444 = arith.index_cast %add3A_441 : i32 to index
        %get3A_445 = tpu.vector_load %arg8[%get3A_443, %get3A_444] {strides = array<i32>} : memref<8x6400xf32, #tpu.memory_space<vmem>>, vector<1x16xf32>,
        %get3A_446 = vector.shape_cast %get3A_445 : vector<1x16xf32> to vector<16xf32>
        %add3A_447 = arith.constant 32 : i32
        %add3A_448 = arith.addi %multiple_of3A_353, %add3A_447 : i32
        %swap3A_449 = arith.constant 0 : i32
        %swap3A_450 = arith.index_cast %swap3A_449 : i32 to index
        %swap3A_451 = arith.index_cast %add3A_448 : i32 to index
        %swap3A_452 = tpu.vector_load %arg9[%swap3A_450, %swap3A_451] {strides = array<i32>} : memref<8x3200xf32, #tpu.memory_space<vmem>>, vector<1x16xf32>,
        %swap3A_453 = vector.shape_cast %swap3A_452 : vector<1x16xf32> to vector<16xf32>
        %swap3A_454 = vector.shape_cast %get3A_374 : vector<16xf32> to vector<1x16xf32>
        tpu.vector_store %arg9[%swap3A_450, %swap3A_451], %swap3A_454 {strides = array<i32>} : memref<8x3200xf32, #tpu.memory_space<vmem>>, vector<1x16xf32>,
        %add3A_455 = arith.constant 48 : i32
        %add3A_456 = arith.addi %multiple_of3A, %add3A_455 : i32
        %get3A_457 = arith.constant 2 : i32
        %get3A_458 = arith.index_cast %get3A_457 : i32 to index
        %get3A_459 = arith.index_cast %add3A_456 : i32 to index
        %get3A_460 = tpu.vector_load %arg8[%get3A_458, %get3A_459] {strides = array<i32>} : memref<8x6400xf32, #tpu.memory_space<vmem>>, vector<1x16xf32>,
        %get3A_461 = vector.shape_cast %get3A_460 : vector<1x16xf32> to vector<16xf32>
        %add3A_462 = arith.constant 48 : i32
        %add3A_463 = arith.addi %multiple_of3A_353, %add3A_462 : i32
        %swap3A_464 = arith.constant 0 : i32
        %swap3A_465 = arith.index_cast %swap3A_464 : i32 to index
        %swap3A_466 = arith.index_cast %add3A_463 : i32 to index
        %swap3A_467 = tpu.vector_load %arg9[%swap3A_465, %swap3A_466] {strides = array<i32>} : memref<8x3200xf32, #tpu.memory_space<vmem>>, vector<1x16xf32>,
        %swap3A_468 = vector.shape_cast %swap3A_467 : vector<1x16xf32> to vector<16xf32>
        %swap3A_469 = vector.shape_cast %get3A_381 : vector<16xf32> to vector<1x16xf32>
        tpu.vector_store %arg9[%swap3A_465, %swap3A_466], %swap3A_469 {strides = array<i32>} : memref<8x3200xf32, #tpu.memory_space<vmem>>, vector<1x16xf32>,
        %add3A_470 = arith.constant 0 : i32
        %add3A_471 = arith.addi %multiple_of3A, %add3A_470 : i32
        %get3A_472 = arith.constant 3 : i32
        %get3A_473 = arith.index_cast %get3A_472 : i32 to index
        %get3A_474 = arith.index_cast %add3A_471 : i32 to index
        %get3A_475 = tpu.vector_load %arg8[%get3A_473, %get3A_474] {strides = array<i32>} : memref<8x6400xf32, #tpu.memory_space<vmem>>, vector<1x16xf32>,
        %get3A_476 = vector.shape_cast %get3A_475 : vector<1x16xf32> to vector<16xf32>
        %add3A_477 = arith.constant 0 : i32
        %add3A_478 = arith.addi %multiple_of3A_353, %add3A_477 : i32
        %swap3A_479 = arith.constant 1 : i32
        %swap3A_480 = arith.index_cast %swap3A_479 : i32 to index
        %swap3A_481 = arith.index_cast %add3A_478 : i32 to index
        %swap3A_482 = tpu.vector_load %arg9[%swap3A_480, %swap3A_481] {strides = array<i32>} : memref<8x3200xf32, #tpu.memory_space<vmem>>, vector<1x16xf32>,
        %swap3A_483 = vector.shape_cast %swap3A_482 : vector<1x16xf32> to vector<16xf32>
        %swap3A_484 = vector.shape_cast %get3A_388 : vector<16xf32> to vector<1x16xf32>
        tpu.vector_store %arg9[%swap3A_480, %swap3A_481], %swap3A_484 {strides = array<i32>} : memref<8x3200xf32, #tpu.memory_space<vmem>>, vector<1x16xf32>,
        %add3A_485 = arith.constant 16 : i32
        %add3A_486 = arith.addi %multiple_of3A, %add3A_485 : i32
        %get3A_487 = arith.constant 3 : i32
        %get3A_488 = arith.index_cast %get3A_487 : i32 to index
        %get3A_489 = arith.index_cast %add3A_486 : i32 to index
        %get3A_490 = tpu.vector_load %arg8[%get3A_488, %get3A_489] {strides = array<i32>} : memref<8x6400xf32, #tpu.memory_space<vmem>>, vector<1x16xf32>,
        %get3A_491 = vector.shape_cast %get3A_490 : vector<1x16xf32> to vector<16xf32>
        %add3A_492 = arith.constant 16 : i32
        %add3A_493 = arith.addi %multiple_of3A_353, %add3A_492 : i32
        %swap3A_494 = arith.constant 1 : i32
        %swap3A_495 = arith.index_cast %swap3A_494 : i32 to index
        %swap3A_496 = arith.index_cast %add3A_493 : i32 to index
        %swap3A_497 = tpu.vector_load %arg9[%swap3A_495, %swap3A_496] {strides = array<i32>} : memref<8x3200xf32, #tpu.memory_space<vmem>>, vector<1x16xf32>,
        %swap3A_498 = vector.shape_cast %swap3A_497 : vector<1x16xf32> to vector<16xf32>
        %swap3A_499 = vector.shape_cast %get3A_395 : vector<16xf32> to vector<1x16xf32>
        tpu.vector_store %arg9[%swap3A_495, %swap3A_496], %swap3A_499 {strides = array<i32>} : memref<8x3200xf32, #tpu.memory_space<vmem>>, vector<1x16xf32>,
        %add3A_500 = arith.constant 32 : i32
        %add3A_501 = arith.addi %multiple_of3A, %add3A_500 : i32
        %get3A_502 = arith.constant 3 : i32
        %get3A_503 = arith.index_cast %get3A_502 : i32 to index
        %get3A_504 = arith.index_cast %add3A_501 : i32 to index
        %get3A_505 = tpu.vector_load %arg8[%get3A_503, %get3A_504] {strides = array<i32>} : memref<8x6400xf32, #tpu.memory_space<vmem>>, vector<1x16xf32>,
        %get3A_506 = vector.shape_cast %get3A_505 : vector<1x16xf32> to vector<16xf32>
        %add3A_507 = arith.constant 32 : i32
        %add3A_508 = arith.addi %multiple_of3A_353, %add3A_507 : i32
        %swap3A_509 = arith.constant 1 : i32
        %swap3A_510 = arith.index_cast %swap3A_509 : i32 to index
        %swap3A_511 = arith.index_cast %add3A_508 : i32 to index
        %swap3A_512 = tpu.vector_load %arg9[%swap3A_510, %swap3A_511] {strides = array<i32>} : memref<8x3200xf32, #tpu.memory_space<vmem>>, vector<1x16xf32>,
        %swap3A_513 = vector.shape_cast %swap3A_512 : vector<1x16xf32> to vector<16xf32>
        %swap3A_514 = vector.shape_cast %get3A_402 : vector<16xf32> to vector<1x16xf32>
        tpu.vector_store %arg9[%swap3A_510, %swap3A_511], %swap3A_514 {strides = array<i32>} : memref<8x3200xf32, #tpu.memory_space<vmem>>, vector<1x16xf32>,
        %add3A_515 = arith.constant 48 : i32
        %add3A_516 = arith.addi %multiple_of3A, %add3A_515 : i32
        %get3A_517 = arith.constant 3 : i32
        %get3A_518 = arith.index_cast %get3A_517 : i32 to index
        %get3A_519 = arith.index_cast %add3A_516 : i32 to index
        %get3A_520 = tpu.vector_load %arg8[%get3A_518, %get3A_519] {strides = array<i32>} : memref<8x6400xf32, #tpu.memory_space<vmem>>, vector<1x16xf32>,
        %get3A_521 = vector.shape_cast %get3A_520 : vector<1x16xf32> to vector<16xf32>
        %add3A_522 = arith.constant 48 : i32
        %add3A_523 = arith.addi %multiple_of3A_353, %add3A_522 : i32
        %swap3A_524 = arith.constant 1 : i32
        %swap3A_525 = arith.index_cast %swap3A_524 : i32 to index
        %swap3A_526 = arith.index_cast %add3A_523 : i32 to index
        %swap3A_527 = tpu.vector_load %arg9[%swap3A_525, %swap3A_526] {strides = array<i32>} : memref<8x3200xf32, #tpu.memory_space<vmem>>, vector<1x16xf32>,
        %swap3A_528 = vector.shape_cast %swap3A_527 : vector<1x16xf32> to vector<16xf32>
        %swap3A_529 = vector.shape_cast %get3A_409 : vector<16xf32> to vector<1x16xf32>
        tpu.vector_store %arg9[%swap3A_525, %swap3A_526], %swap3A_529 {strides = array<i32>} : memref<8x3200xf32, #tpu.memory_space<vmem>>, vector<1x16xf32>,
        %add3A_530 = arith.constant 0 : i32
        %add3A_531 = arith.addi %multiple_of3A, %add3A_530 : i32
        %get3A_532 = arith.constant 4 : i32
        %get3A_533 = arith.index_cast %get3A_532 : i32 to index
        %get3A_534 = arith.index_cast %add3A_531 : i32 to index
        %get3A_535 = tpu.vector_load %arg8[%get3A_533, %get3A_534] {strides = array<i32>} : memref<8x6400xf32, #tpu.memory_space<vmem>>, vector<1x16xf32>,
        %get3A_536 = vector.shape_cast %get3A_535 : vector<1x16xf32> to vector<16xf32>
        %add3A_537 = arith.constant 0 : i32
        %add3A_538 = arith.addi %multiple_of3A_353, %add3A_537 : i32
        %swap3A_539 = arith.constant 2 : i32
        %swap3A_540 = arith.index_cast %swap3A_539 : i32 to index
        %swap3A_541 = arith.index_cast %add3A_538 : i32 to index
        %swap3A_542 = tpu.vector_load %arg9[%swap3A_540, %swap3A_541] {strides = array<i32>} : memref<8x3200xf32, #tpu.memory_space<vmem>>, vector<1x16xf32>,
        %swap3A_543 = vector.shape_cast %swap3A_542 : vector<1x16xf32> to vector<16xf32>
        %swap3A_544 = vector.shape_cast %get3A_416 : vector<16xf32> to vector<1x16xf32>
        tpu.vector_store %arg9[%swap3A_540, %swap3A_541], %swap3A_544 {strides = array<i32>} : memref<8x3200xf32, #tpu.memory_space<vmem>>, vector<1x16xf32>,
        %add3A_545 = arith.constant 16 : i32
        %add3A_546 = arith.addi %multiple_of3A, %add3A_545 : i32
        %get3A_547 = arith.constant 4 : i32
        %get3A_548 = arith.index_cast %get3A_547 : i32 to index
        %get3A_549 = arith.index_cast %add3A_546 : i32 to index
        %get3A_550 = tpu.vector_load %arg8[%get3A_548, %get3A_549] {strides = array<i32>} : memref<8x6400xf32, #tpu.memory_space<vmem>>, vector<1x16xf32>,
        %get3A_551 = vector.shape_cast %get3A_550 : vector<1x16xf32> to vector<16xf32>
        %add3A_552 = arith.constant 16 : i32
        %add3A_553 = arith.addi %multiple_of3A_353, %add3A_552 : i32
        %swap3A_554 = arith.constant 2 : i32
        %swap3A_555 = arith.index_cast %swap3A_554 : i32 to index
        %swap3A_556 = arith.index_cast %add3A_553 : i32 to index
        %swap3A_557 = tpu.vector_load %arg9[%swap3A_555, %swap3A_556] {strides = array<i32>} : memref<8x3200xf32, #tpu.memory_space<vmem>>, vector<1x16xf32>,
        %swap3A_558 = vector.shape_cast %swap3A_557 : vector<1x16xf32> to vector<16xf32>
        %swap3A_559 = vector.shape_cast %get3A_431 : vector<16xf32> to vector<1x16xf32>
        tpu.vector_store %arg9[%swap3A_555, %swap3A_556], %swap3A_559 {strides = array<i32>} : memref<8x3200xf32, #tpu.memory_space<vmem>>, vector<1x16xf32>,
        %add3A_560 = arith.constant 32 : i32
        %add3A_561 = arith.addi %multiple_of3A, %add3A_560 : i32
        %get3A_562 = arith.constant 4 : i32
        %get3A_563 = arith.index_cast %get3A_562 : i32 to index
        %get3A_564 = arith.index_cast %add3A_561 : i32 to index
        %get3A_565 = tpu.vector_load %arg8[%get3A_563, %get3A_564] {strides = array<i32>} : memref<8x6400xf32, #tpu.memory_space<vmem>>, vector<1x16xf32>,
        %get3A_566 = vector.shape_cast %get3A_565 : vector<1x16xf32> to vector<16xf32>
        %add3A_567 = arith.constant 32 : i32
        %add3A_568 = arith.addi %multiple_of3A_353, %add3A_567 : i32
        %swap3A_569 = arith.constant 2 : i32
        %swap3A_570 = arith.index_cast %swap3A_569 : i32 to index
        %swap3A_571 = arith.index_cast %add3A_568 : i32 to index
        %swap3A_572 = tpu.vector_load %arg9[%swap3A_570, %swap3A_571] {strides = array<i32>} : memref<8x3200xf32, #tpu.memory_space<vmem>>, vector<1x16xf32>,
        %swap3A_573 = vector.shape_cast %swap3A_572 : vector<1x16xf32> to vector<16xf32>
        %swap3A_574 = vector.shape_cast %get3A_446 : vector<16xf32> to vector<1x16xf32>
        tpu.vector_store %arg9[%swap3A_570, %swap3A_571], %swap3A_574 {strides = array<i32>} : memref<8x3200xf32, #tpu.memory_space<vmem>>, vector<1x16xf32>,
        %add3A_575 = arith.constant 48 : i32
        %add3A_576 = arith.addi %multiple_of3A, %add3A_575 : i32
        %get3A_577 = arith.constant 4 : i32
        %get3A_578 = arith.index_cast %get3A_577 : i32 to index
        %get3A_579 = arith.index_cast %add3A_576 : i32 to index
        %get3A_580 = tpu.vector_load %arg8[%get3A_578, %get3A_579] {strides = array<i32>} : memref<8x6400xf32, #tpu.memory_space<vmem>>, vector<1x16xf32>,
        %get3A_581 = vector.shape_cast %get3A_580 : vector<1x16xf32> to vector<16xf32>
        %add3A_582 = arith.constant 48 : i32
        %add3A_583 = arith.addi %multiple_of3A_353, %add3A_582 : i32
        %swap3A_584 = arith.constant 2 : i32
        %swap3A_585 = arith.index_cast %swap3A_584 : i32 to index
        %swap3A_586 = arith.index_cast %add3A_583 : i32 to index
        %swap3A_587 = tpu.vector_load %arg9[%swap3A_585, %swap3A_586] {strides = array<i32>} : memref<8x3200xf32, #tpu.memory_space<vmem>>, vector<1x16xf32>,
        %swap3A_588 = vector.shape_cast %swap3A_587 : vector<1x16xf32> to vector<16xf32>
        %swap3A_589 = vector.shape_cast %get3A_461 : vector<16xf32> to vector<1x16xf32>
        tpu.vector_store %arg9[%swap3A_585, %swap3A_586], %swap3A_589 {strides = array<i32>} : memref<8x3200xf32, #tpu.memory_space<vmem>>, vector<1x16xf32>,
        %add3A_590 = arith.constant 0 : i32
        %add3A_591 = arith.addi %multiple_of3A, %add3A_590 : i32
        %get3A_592 = arith.constant 5 : i32
        %get3A_593 = arith.index_cast %get3A_592 : i32 to index
        %get3A_594 = arith.index_cast %add3A_591 : i32 to index
        %get3A_595 = tpu.vector_load %arg8[%get3A_593, %get3A_594] {strides = array<i32>} : memref<8x6400xf32, #tpu.memory_space<vmem>>, vector<1x16xf32>,
        %get3A_596 = vector.shape_cast %get3A_595 : vector<1x16xf32> to vector<16xf32>
        %add3A_597 = arith.constant 0 : i32
        %add3A_598 = arith.addi %multiple_of3A_353, %add3A_597 : i32
        %swap3A_599 = arith.constant 3 : i32
        %swap3A_600 = arith.index_cast %swap3A_599 : i32 to index
        %swap3A_601 = arith.index_cast %add3A_598 : i32 to index
        %swap3A_602 = tpu.vector_load %arg9[%swap3A_600, %swap3A_601] {strides = array<i32>} : memref<8x3200xf32, #tpu.memory_space<vmem>>, vector<1x16xf32>,
        %swap3A_603 = vector.shape_cast %swap3A_602 : vector<1x16xf32> to vector<16xf32>
        %swap3A_604 = vector.shape_cast %get3A_476 : vector<16xf32> to vector<1x16xf32>
        tpu.vector_store %arg9[%swap3A_600, %swap3A_601], %swap3A_604 {strides = array<i32>} : memref<8x3200xf32, #tpu.memory_space<vmem>>, vector<1x16xf32>,
        %add3A_605 = arith.constant 16 : i32
        %add3A_606 = arith.addi %multiple_of3A, %add3A_605 : i32
        %get3A_607 = arith.constant 5 : i32
        %get3A_608 = arith.index_cast %get3A_607 : i32 to index
        %get3A_609 = arith.index_cast %add3A_606 : i32 to index
        %get3A_610 = tpu.vector_load %arg8[%get3A_608, %get3A_609] {strides = array<i32>} : memref<8x6400xf32, #tpu.memory_space<vmem>>, vector<1x16xf32>,
        %get3A_611 = vector.shape_cast %get3A_610 : vector<1x16xf32> to vector<16xf32>
        %add3A_612 = arith.constant 16 : i32
        %add3A_613 = arith.addi %multiple_of3A_353, %add3A_612 : i32
        %swap3A_614 = arith.constant 3 : i32
        %swap3A_615 = arith.index_cast %swap3A_614 : i32 to index
        %swap3A_616 = arith.index_cast %add3A_613 : i32 to index
        %swap3A_617 = tpu.vector_load %arg9[%swap3A_615, %swap3A_616] {strides = array<i32>} : memref<8x3200xf32, #tpu.memory_space<vmem>>, vector<1x16xf32>,
        %swap3A_618 = vector.shape_cast %swap3A_617 : vector<1x16xf32> to vector<16xf32>
        %swap3A_619 = vector.shape_cast %get3A_491 : vector<16xf32> to vector<1x16xf32>
        tpu.vector_store %arg9[%swap3A_615, %swap3A_616], %swap3A_619 {strides = array<i32>} : memref<8x3200xf32, #tpu.memory_space<vmem>>, vector<1x16xf32>,
        %add3A_620 = arith.constant 32 : i32
        %add3A_621 = arith.addi %multiple_of3A, %add3A_620 : i32
        %get3A_622 = arith.constant 5 : i32
        %get3A_623 = arith.index_cast %get3A_622 : i32 to index
        %get3A_624 = arith.index_cast %add3A_621 : i32 to index
        %get3A_625 = tpu.vector_load %arg8[%get3A_623, %get3A_624] {strides = array<i32>} : memref<8x6400xf32, #tpu.memory_space<vmem>>, vector<1x16xf32>,
        %get3A_626 = vector.shape_cast %get3A_625 : vector<1x16xf32> to vector<16xf32>
        %add3A_627 = arith.constant 32 : i32
        %add3A_628 = arith.addi %multiple_of3A_353, %add3A_627 : i32
        %swap3A_629 = arith.constant 3 : i32
        %swap3A_630 = arith.index_cast %swap3A_629 : i32 to index
        %swap3A_631 = arith.index_cast %add3A_628 : i32 to index
        %swap3A_632 = tpu.vector_load %arg9[%swap3A_630, %swap3A_631] {strides = array<i32>} : memref<8x3200xf32, #tpu.memory_space<vmem>>, vector<1x16xf32>,
        %swap3A_633 = vector.shape_cast %swap3A_632 : vector<1x16xf32> to vector<16xf32>
        %swap3A_634 = vector.shape_cast %get3A_506 : vector<16xf32> to vector<1x16xf32>
        tpu.vector_store %arg9[%swap3A_630, %swap3A_631], %swap3A_634 {strides = array<i32>} : memref<8x3200xf32, #tpu.memory_space<vmem>>, vector<1x16xf32>,
        %add3A_635 = arith.constant 48 : i32
        %add3A_636 = arith.addi %multiple_of3A, %add3A_635 : i32
        %get3A_637 = arith.constant 5 : i32
        %get3A_638 = arith.index_cast %get3A_637 : i32 to index
        %get3A_639 = arith.index_cast %add3A_636 : i32 to index
        %get3A_640 = tpu.vector_load %arg8[%get3A_638, %get3A_639] {strides = array<i32>} : memref<8x6400xf32, #tpu.memory_space<vmem>>, vector<1x16xf32>,
        %get3A_641 = vector.shape_cast %get3A_640 : vector<1x16xf32> to vector<16xf32>
        %add3A_642 = arith.constant 48 : i32
        %add3A_643 = arith.addi %multiple_of3A_353, %add3A_642 : i32
        %swap3A_644 = arith.constant 3 : i32
        %swap3A_645 = arith.index_cast %swap3A_644 : i32 to index
        %swap3A_646 = arith.index_cast %add3A_643 : i32 to index
        %swap3A_647 = tpu.vector_load %arg9[%swap3A_645, %swap3A_646] {strides = array<i32>} : memref<8x3200xf32, #tpu.memory_space<vmem>>, vector<1x16xf32>,
        %swap3A_648 = vector.shape_cast %swap3A_647 : vector<1x16xf32> to vector<16xf32>
        %swap3A_649 = vector.shape_cast %get3A_521 : vector<16xf32> to vector<1x16xf32>
        tpu.vector_store %arg9[%swap3A_645, %swap3A_646], %swap3A_649 {strides = array<i32>} : memref<8x3200xf32, #tpu.memory_space<vmem>>, vector<1x16xf32>,
        %add3A_650 = arith.constant 0 : i32
        %add3A_651 = arith.addi %multiple_of3A, %add3A_650 : i32
        %get3A_652 = arith.constant 6 : i32
        %get3A_653 = arith.index_cast %get3A_652 : i32 to index
        %get3A_654 = arith.index_cast %add3A_651 : i32 to index
        %get3A_655 = tpu.vector_load %arg8[%get3A_653, %get3A_654] {strides = array<i32>} : memref<8x6400xf32, #tpu.memory_space<vmem>>, vector<1x16xf32>,
        %get3A_656 = vector.shape_cast %get3A_655 : vector<1x16xf32> to vector<16xf32>
        %add3A_657 = arith.constant 0 : i32
        %add3A_658 = arith.addi %multiple_of3A_353, %add3A_657 : i32
        %swap3A_659 = arith.constant 4 : i32
        %swap3A_660 = arith.index_cast %swap3A_659 : i32 to index
        %swap3A_661 = arith.index_cast %add3A_658 : i32 to index
        %swap3A_662 = tpu.vector_load %arg9[%swap3A_660, %swap3A_661] {strides = array<i32>} : memref<8x3200xf32, #tpu.memory_space<vmem>>, vector<1x16xf32>,
        %swap3A_663 = vector.shape_cast %swap3A_662 : vector<1x16xf32> to vector<16xf32>
        %swap3A_664 = vector.shape_cast %get3A_536 : vector<16xf32> to vector<1x16xf32>
        tpu.vector_store %arg9[%swap3A_660, %swap3A_661], %swap3A_664 {strides = array<i32>} : memref<8x3200xf32, #tpu.memory_space<vmem>>, vector<1x16xf32>,
        %add3A_665 = arith.constant 16 : i32
        %add3A_666 = arith.addi %multiple_of3A, %add3A_665 : i32
        %get3A_667 = arith.constant 6 : i32
        %get3A_668 = arith.index_cast %get3A_667 : i32 to index
        %get3A_669 = arith.index_cast %add3A_666 : i32 to index
        %get3A_670 = tpu.vector_load %arg8[%get3A_668, %get3A_669] {strides = array<i32>} : memref<8x6400xf32, #tpu.memory_space<vmem>>, vector<1x16xf32>,
        %get3A_671 = vector.shape_cast %get3A_670 : vector<1x16xf32> to vector<16xf32>
        %add3A_672 = arith.constant 16 : i32
        %add3A_673 = arith.addi %multiple_of3A_353, %add3A_672 : i32
        %swap3A_674 = arith.constant 4 : i32
        %swap3A_675 = arith.index_cast %swap3A_674 : i32 to index
        %swap3A_676 = arith.index_cast %add3A_673 : i32 to index
        %swap3A_677 = tpu.vector_load %arg9[%swap3A_675, %swap3A_676] {strides = array<i32>} : memref<8x3200xf32, #tpu.memory_space<vmem>>, vector<1x16xf32>,
        %swap3A_678 = vector.shape_cast %swap3A_677 : vector<1x16xf32> to vector<16xf32>
        %swap3A_679 = vector.shape_cast %get3A_551 : vector<16xf32> to vector<1x16xf32>
        tpu.vector_store %arg9[%swap3A_675, %swap3A_676], %swap3A_679 {strides = array<i32>} : memref<8x3200xf32, #tpu.memory_space<vmem>>, vector<1x16xf32>,
        %add3A_680 = arith.constant 32 : i32
        %add3A_681 = arith.addi %multiple_of3A, %add3A_680 : i32
        %get3A_682 = arith.constant 6 : i32
        %get3A_683 = arith.index_cast %get3A_682 : i32 to index
        %get3A_684 = arith.index_cast %add3A_681 : i32 to index
        %get3A_685 = tpu.vector_load %arg8[%get3A_683, %get3A_684] {strides = array<i32>} : memref<8x6400xf32, #tpu.memory_space<vmem>>, vector<1x16xf32>,
        %get3A_686 = vector.shape_cast %get3A_685 : vector<1x16xf32> to vector<16xf32>
        %add3A_687 = arith.constant 32 : i32
        %add3A_688 = arith.addi %multiple_of3A_353, %add3A_687 : i32
        %swap3A_689 = arith.constant 4 : i32
        %swap3A_690 = arith.index_cast %swap3A_689 : i32 to index
        %swap3A_691 = arith.index_cast %add3A_688 : i32 to index
        %swap3A_692 = tpu.vector_load %arg9[%swap3A_690, %swap3A_691] {strides = array<i32>} : memref<8x3200xf32, #tpu.memory_space<vmem>>, vector<1x16xf32>,
        %swap3A_693 = vector.shape_cast %swap3A_692 : vector<1x16xf32> to vector<16xf32>
        %swap3A_694 = vector.shape_cast %get3A_566 : vector<16xf32> to vector<1x16xf32>
        tpu.vector_store %arg9[%swap3A_690, %swap3A_691], %swap3A_694 {strides = array<i32>} : memref<8x3200xf32, #tpu.memory_space<vmem>>, vector<1x16xf32>,
        %add3A_695 = arith.constant 48 : i32
        %add3A_696 = arith.addi %multiple_of3A, %add3A_695 : i32
        %get3A_697 = arith.constant 6 : i32
        %get3A_698 = arith.index_cast %get3A_697 : i32 to index
        %get3A_699 = arith.index_cast %add3A_696 : i32 to index
        %get3A_700 = tpu.vector_load %arg8[%get3A_698, %get3A_699] {strides = array<i32>} : memref<8x6400xf32, #tpu.memory_space<vmem>>, vector<1x16xf32>,
        %get3A_701 = vector.shape_cast %get3A_700 : vector<1x16xf32> to vector<16xf32>
        %add3A_702 = arith.constant 48 : i32
        %add3A_703 = arith.addi %multiple_of3A_353, %add3A_702 : i32
        %swap3A_704 = arith.constant 4 : i32
        %swap3A_705 = arith.index_cast %swap3A_704 : i32 to index
        %swap3A_706 = arith.index_cast %add3A_703 : i32 to index
        %swap3A_707 = tpu.vector_load %arg9[%swap3A_705, %swap3A_706] {strides = array<i32>} : memref<8x3200xf32, #tpu.memory_space<vmem>>, vector<1x16xf32>,
        %swap3A_708 = vector.shape_cast %swap3A_707 : vector<1x16xf32> to vector<16xf32>
        %swap3A_709 = vector.shape_cast %get3A_581 : vector<16xf32> to vector<1x16xf32>
        tpu.vector_store %arg9[%swap3A_705, %swap3A_706], %swap3A_709 {strides = array<i32>} : memref<8x3200xf32, #tpu.memory_space<vmem>>, vector<1x16xf32>,
        %add3A_710 = arith.constant 0 : i32
        %add3A_711 = arith.addi %multiple_of3A, %add3A_710 : i32
        %get3A_712 = arith.constant 7 : i32
        %get3A_713 = arith.index_cast %get3A_712 : i32 to index
        %get3A_714 = arith.index_cast %add3A_711 : i32 to index
        %get3A_715 = tpu.vector_load %arg8[%get3A_713, %get3A_714] {strides = array<i32>} : memref<8x6400xf32, #tpu.memory_space<vmem>>, vector<1x16xf32>,
        %get3A_716 = vector.shape_cast %get3A_715 : vector<1x16xf32> to vector<16xf32>
        %add3A_717 = arith.constant 0 : i32
        %add3A_718 = arith.addi %multiple_of3A_353, %add3A_717 : i32
        %swap3A_719 = arith.constant 5 : i32
        %swap3A_720 = arith.index_cast %swap3A_719 : i32 to index
        %swap3A_721 = arith.index_cast %add3A_718 : i32 to index
        %swap3A_722 = tpu.vector_load %arg9[%swap3A_720, %swap3A_721] {strides = array<i32>} : memref<8x3200xf32, #tpu.memory_space<vmem>>, vector<1x16xf32>,
        %swap3A_723 = vector.shape_cast %swap3A_722 : vector<1x16xf32> to vector<16xf32>
        %swap3A_724 = vector.shape_cast %get3A_596 : vector<16xf32> to vector<1x16xf32>
        tpu.vector_store %arg9[%swap3A_720, %swap3A_721], %swap3A_724 {strides = array<i32>} : memref<8x3200xf32, #tpu.memory_space<vmem>>, vector<1x16xf32>,
        %add3A_725 = arith.constant 16 : i32
        %add3A_726 = arith.addi %multiple_of3A, %add3A_725 : i32
        %get3A_727 = arith.constant 7 : i32
        %get3A_728 = arith.index_cast %get3A_727 : i32 to index
        %get3A_729 = arith.index_cast %add3A_726 : i32 to index
        %get3A_730 = tpu.vector_load %arg8[%get3A_728, %get3A_729] {strides = array<i32>} : memref<8x6400xf32, #tpu.memory_space<vmem>>, vector<1x16xf32>,
        %get3A_731 = vector.shape_cast %get3A_730 : vector<1x16xf32> to vector<16xf32>
        %add3A_732 = arith.constant 16 : i32
        %add3A_733 = arith.addi %multiple_of3A_353, %add3A_732 : i32
        %swap3A_734 = arith.constant 5 : i32
        %swap3A_735 = arith.index_cast %swap3A_734 : i32 to index
        %swap3A_736 = arith.index_cast %add3A_733 : i32 to index
        %swap3A_737 = tpu.vector_load %arg9[%swap3A_735, %swap3A_736] {strides = array<i32>} : memref<8x3200xf32, #tpu.memory_space<vmem>>, vector<1x16xf32>,
        %swap3A_738 = vector.shape_cast %swap3A_737 : vector<1x16xf32> to vector<16xf32>
        %swap3A_739 = vector.shape_cast %get3A_611 : vector<16xf32> to vector<1x16xf32>
        tpu.vector_store %arg9[%swap3A_735, %swap3A_736], %swap3A_739 {strides = array<i32>} : memref<8x3200xf32, #tpu.memory_space<vmem>>, vector<1x16xf32>,
        %add3A_740 = arith.constant 32 : i32
        %add3A_741 = arith.addi %multiple_of3A, %add3A_740 : i32
        %get3A_742 = arith.constant 7 : i32
        %get3A_743 = arith.index_cast %get3A_742 : i32 to index
        %get3A_744 = arith.index_cast %add3A_741 : i32 to index
        %get3A_745 = tpu.vector_load %arg8[%get3A_743, %get3A_744] {strides = array<i32>} : memref<8x6400xf32, #tpu.memory_space<vmem>>, vector<1x16xf32>,
        %get3A_746 = vector.shape_cast %get3A_745 : vector<1x16xf32> to vector<16xf32>
        %add3A_747 = arith.constant 32 : i32
        %add3A_748 = arith.addi %multiple_of3A_353, %add3A_747 : i32
        %swap3A_749 = arith.constant 5 : i32
        %swap3A_750 = arith.index_cast %swap3A_749 : i32 to index
        %swap3A_751 = arith.index_cast %add3A_748 : i32 to index
        %swap3A_752 = tpu.vector_load %arg9[%swap3A_750, %swap3A_751] {strides = array<i32>} : memref<8x3200xf32, #tpu.memory_space<vmem>>, vector<1x16xf32>,
        %swap3A_753 = vector.shape_cast %swap3A_752 : vector<1x16xf32> to vector<16xf32>
        %swap3A_754 = vector.shape_cast %get3A_626 : vector<16xf32> to vector<1x16xf32>
        tpu.vector_store %arg9[%swap3A_750, %swap3A_751], %swap3A_754 {strides = array<i32>} : memref<8x3200xf32, #tpu.memory_space<vmem>>, vector<1x16xf32>,
        %add3A_755 = arith.constant 48 : i32
        %add3A_756 = arith.addi %multiple_of3A, %add3A_755 : i32
        %get3A_757 = arith.constant 7 : i32
        %get3A_758 = arith.index_cast %get3A_757 : i32 to index
        %get3A_759 = arith.index_cast %add3A_756 : i32 to index
        %get3A_760 = tpu.vector_load %arg8[%get3A_758, %get3A_759] {strides = array<i32>} : memref<8x6400xf32, #tpu.memory_space<vmem>>, vector<1x16xf32>,
        %get3A_761 = vector.shape_cast %get3A_760 : vector<1x16xf32> to vector<16xf32>
        %add3A_762 = arith.constant 48 : i32
        %add3A_763 = arith.addi %multiple_of3A_353, %add3A_762 : i32
        %swap3A_764 = arith.constant 5 : i32
        %swap3A_765 = arith.index_cast %swap3A_764 : i32 to index
        %swap3A_766 = arith.index_cast %add3A_763 : i32 to index
        %swap3A_767 = tpu.vector_load %arg9[%swap3A_765, %swap3A_766] {strides = array<i32>} : memref<8x3200xf32, #tpu.memory_space<vmem>>, vector<1x16xf32>,
        %swap3A_768 = vector.shape_cast %swap3A_767 : vector<1x16xf32> to vector<16xf32>
        %swap3A_769 = vector.shape_cast %get3A_641 : vector<16xf32> to vector<1x16xf32>
        tpu.vector_store %arg9[%swap3A_765, %swap3A_766], %swap3A_769 {strides = array<i32>} : memref<8x3200xf32, #tpu.memory_space<vmem>>, vector<1x16xf32>,
        %add3A_770 = arith.constant 0 : i32
        %add3A_771 = arith.addi %multiple_of3A_353, %add3A_770 : i32
        %swap3A_772 = arith.constant 6 : i32
        %swap3A_773 = arith.index_cast %swap3A_772 : i32 to index
        %swap3A_774 = arith.index_cast %add3A_771 : i32 to index
        %swap3A_775 = tpu.vector_load %arg9[%swap3A_773, %swap3A_774] {strides = array<i32>} : memref<8x3200xf32, #tpu.memory_space<vmem>>, vector<1x16xf32>,
        %swap3A_776 = vector.shape_cast %swap3A_775 : vector<1x16xf32> to vector<16xf32>
        %swap3A_777 = vector.shape_cast %get3A_656 : vector<16xf32> to vector<1x16xf32>
        tpu.vector_store %arg9[%swap3A_773, %swap3A_774], %swap3A_777 {strides = array<i32>} : memref<8x3200xf32, #tpu.memory_space<vmem>>, vector<1x16xf32>,
        %add3A_778 = arith.constant 16 : i32
        %add3A_779 = arith.addi %multiple_of3A_353, %add3A_778 : i32
        %swap3A_780 = arith.constant 6 : i32
        %swap3A_781 = arith.index_cast %swap3A_780 : i32 to index
        %swap3A_782 = arith.index_cast %add3A_779 : i32 to index
        %swap3A_783 = tpu.vector_load %arg9[%swap3A_781, %swap3A_782] {strides = array<i32>} : memref<8x3200xf32, #tpu.memory_space<vmem>>, vector<1x16xf32>,
        %swap3A_784 = vector.shape_cast %swap3A_783 : vector<1x16xf32> to vector<16xf32>
        %swap3A_785 = vector.shape_cast %get3A_671 : vector<16xf32> to vector<1x16xf32>
        tpu.vector_store %arg9[%swap3A_781, %swap3A_782], %swap3A_785 {strides = array<i32>} : memref<8x3200xf32, #tpu.memory_space<vmem>>, vector<1x16xf32>,
        %add3A_786 = arith.constant 32 : i32
        %add3A_787 = arith.addi %multiple_of3A_353, %add3A_786 : i32
        %swap3A_788 = arith.constant 6 : i32
        %swap3A_789 = arith.index_cast %swap3A_788 : i32 to index
        %swap3A_790 = arith.index_cast %add3A_787 : i32 to index
        %swap3A_791 = tpu.vector_load %arg9[%swap3A_789, %swap3A_790] {strides = array<i32>} : memref<8x3200xf32, #tpu.memory_space<vmem>>, vector<1x16xf32>,
        %swap3A_792 = vector.shape_cast %swap3A_791 : vector<1x16xf32> to vector<16xf32>
        %swap3A_793 = vector.shape_cast %get3A_686 : vector<16xf32> to vector<1x16xf32>
        tpu.vector_store %arg9[%swap3A_789, %swap3A_790], %swap3A_793 {strides = array<i32>} : memref<8x3200xf32, #tpu.memory_space<vmem>>, vector<1x16xf32>,
        %add3A_794 = arith.constant 48 : i32
        %add3A_795 = arith.addi %multiple_of3A_353, %add3A_794 : i32
        %swap3A_796 = arith.constant 6 : i32
        %swap3A_797 = arith.index_cast %swap3A_796 : i32 to index
        %swap3A_798 = arith.index_cast %add3A_795 : i32 to index
        %swap3A_799 = tpu.vector_load %arg9[%swap3A_797, %swap3A_798] {strides = array<i32>} : memref<8x3200xf32, #tpu.memory_space<vmem>>, vector<1x16xf32>,
        %swap3A_800 = vector.shape_cast %swap3A_799 : vector<1x16xf32> to vector<16xf32>
        %swap3A_801 = vector.shape_cast %get3A_701 : vector<16xf32> to vector<1x16xf32>
        tpu.vector_store %arg9[%swap3A_797, %swap3A_798], %swap3A_801 {strides = array<i32>} : memref<8x3200xf32, #tpu.memory_space<vmem>>, vector<1x16xf32>,
        %add3A_802 = arith.constant 0 : i32
        %add3A_803 = arith.addi %multiple_of3A_353, %add3A_802 : i32
        %swap3A_804 = arith.constant 7 : i32
        %swap3A_805 = arith.index_cast %swap3A_804 : i32 to index
        %swap3A_806 = arith.index_cast %add3A_803 : i32 to index
        %swap3A_807 = tpu.vector_load %arg9[%swap3A_805, %swap3A_806] {strides = array<i32>} : memref<8x3200xf32, #tpu.memory_space<vmem>>, vector<1x16xf32>,
        %swap3A_808 = vector.shape_cast %swap3A_807 : vector<1x16xf32> to vector<16xf32>
        %swap3A_809 = vector.shape_cast %get3A_716 : vector<16xf32> to vector<1x16xf32>
        tpu.vector_store %arg9[%swap3A_805, %swap3A_806], %swap3A_809 {strides = array<i32>} : memref<8x3200xf32, #tpu.memory_space<vmem>>, vector<1x16xf32>,
        %add3A_810 = arith.constant 16 : i32
        %add3A_811 = arith.addi %multiple_of3A_353, %add3A_810 : i32
        %swap3A_812 = arith.constant 7 : i32
        %swap3A_813 = arith.index_cast %swap3A_812 : i32 to index
        %swap3A_814 = arith.index_cast %add3A_811 : i32 to index
        %swap3A_815 = tpu.vector_load %arg9[%swap3A_813, %swap3A_814] {strides = array<i32>} : memref<8x3200xf32, #tpu.memory_space<vmem>>, vector<1x16xf32>,
        %swap3A_816 = vector.shape_cast %swap3A_815 : vector<1x16xf32> to vector<16xf32>
        %swap3A_817 = vector.shape_cast %get3A_731 : vector<16xf32> to vector<1x16xf32>
        tpu.vector_store %arg9[%swap3A_813, %swap3A_814], %swap3A_817 {strides = array<i32>} : memref<8x3200xf32, #tpu.memory_space<vmem>>, vector<1x16xf32>,
        %add3A_818 = arith.constant 32 : i32
        %add3A_819 = arith.addi %multiple_of3A_353, %add3A_818 : i32
        %swap3A_820 = arith.constant 7 : i32
        %swap3A_821 = arith.index_cast %swap3A_820 : i32 to index
        %swap3A_822 = arith.index_cast %add3A_819 : i32 to index
        %swap3A_823 = tpu.vector_load %arg9[%swap3A_821, %swap3A_822] {strides = array<i32>} : memref<8x3200xf32, #tpu.memory_space<vmem>>, vector<1x16xf32>,
        %swap3A_824 = vector.shape_cast %swap3A_823 : vector<1x16xf32> to vector<16xf32>
        %swap3A_825 = vector.shape_cast %get3A_746 : vector<16xf32> to vector<1x16xf32>
        tpu.vector_store %arg9[%swap3A_821, %swap3A_822], %swap3A_825 {strides = array<i32>} : memref<8x3200xf32, #tpu.memory_space<vmem>>, vector<1x16xf32>,
        %add3A_826 = arith.constant 48 : i32
        %add3A_827 = arith.addi %multiple_of3A_353, %add3A_826 : i32
        %swap3A_828 = arith.constant 7 : i32
        %swap3A_829 = arith.index_cast %swap3A_828 : i32 to index
        %swap3A_830 = arith.index_cast %add3A_827 : i32 to index
        %swap3A_831 = tpu.vector_load %arg9[%swap3A_829, %swap3A_830] {strides = array<i32>} : memref<8x3200xf32, #tpu.memory_space<vmem>>, vector<1x16xf32>,
        %swap3A_832 = vector.shape_cast %swap3A_831 : vector<1x16xf32> to vector<16xf32>
        %swap3A_833 = vector.shape_cast %get3A_761 : vector<16xf32> to vector<1x16xf32>
        tpu.vector_store %arg9[%swap3A_829, %swap3A_830], %swap3A_833 {strides = array<i32>} : memref<8x3200xf32, #tpu.memory_space<vmem>>, vector<1x16xf32>,
      }
      %scan3A_339 = arith.constant 50 : i32
      %mul3A_340 = arith.constant 8 : i32
      %mul3A_341 = arith.muli %add3A_314, %mul3A_340 : i32
      %add3A_342 = arith.addi %mul3A_2, %mul3A_341 : i32
      %dma_start3A_343 = arith.constant 0 : i32
      %dma_start3A_344 = tpu.memref_slice %arg4[%add3A_342, %dma_start3A_343] : memref<16384x3200xf32, #tpu.memory_space<hbm>> -> memref<8x3200xf32, #tpu.memory_space<hbm>>
      %dma_start3A_345 = arith.constant 0 : i32
      %dma_start3A_346 = tpu.memref_slice %arg4[%add3A_342, %dma_start3A_345] : memref<16384x3200xf32, #tpu.memory_space<hbm>> -> memref<8x3200xf32, #tpu.memory_space<hbm>>
      tpu.enqueue_dma source(%arg9 : memref<8x3200xf32, #tpu.memory_space<vmem>>) target(%dma_start3A_346 : memref<8x3200xf32, #tpu.memory_space<hbm>>) target_semaphore(%arg12 : memref<!tpu.dma_semaphore, #tpu.memory_space<semaphore_mem>>)
      %scan3A_347 = arith.constant 0 : i32
      scf.yield %scan3A_347 : i32
    }
    %scan3A_271 = arith.constant 32 : i32
    %add3A_272 = arith.constant 504 : i32
    %add3A_273 = arith.addi %mul3A_2, %add3A_272 : i32
    %dma_wait3A = arith.constant 0 : i32
    %dma_wait3A_274 = tpu.memref_slice %arg4[%add3A_273, %dma_wait3A] : memref<16384x3200xf32, #tpu.memory_space<hbm>> -> memref<8x3200xf32, #tpu.memory_space<hbm>>
    %dma_wait3A_275 = arith.constant 0 : i32
    %dma_wait3A_276 = tpu.memref_slice %arg4[%add3A_273, %dma_wait3A_275] : memref<16384x3200xf32, #tpu.memory_space<hbm>> -> memref<8x3200xf32, #tpu.memory_space<hbm>>
    tpu.wait_dma2 semaphore(%arg12 : memref<!tpu.dma_semaphore, #tpu.memory_space<semaphore_mem>>) src(%arg9 : memref<8x3200xf32, #tpu.memory_space<vmem>>) dst(%dma_wait3A_276 : memref<8x3200xf32, #tpu.memory_space<hbm>>)
    return
  }
}

</mosaic_0001>

<sc_bundles>
// kernel: _run.3.cloned.1.call-start
scs
__scs_entry_jumppad:
0x0: {  	(pc) =	sbr.rel $0x88, $3  }
0x1: {  	(tag) =	ssettag $0x0;
	lr =	simm.s32 $0x1  }
0x2: {  	[smem:$0x3F9F] =	sst lr;
	_ =	strace $0xD0000000  }
0x3: {  	_ = 	snop  }
0x4: {  	_ = 	snop  }
0x5: {  	_ = 	snop  }
0x6: {  	_ = 	snop  }
0x7: {  	_ = 	snop  }
__scs_overlays_trampoline_lowered:
0x8: {  	[smem:$0x3FAE] =	sst s0  }
0x9: {  	[smem:$0x3FAF] =	sst s1  }
0xa: {  	[smem:$0x3FB0] =	sst s2  }
0xb: {  	[smem:$0x3FB1] =	sst s3  }
0xc: {  	[smem:$0x3FB2] =	sst s4  }
0xd: {  	[smem:$0x3FB3] =	sst s5  }
0xe: {  	[smem:$0x3FB4] =	sst s6  }
0xf: {  	[smem:$0x3FB5] =	sst s7  }
0x10: {  	[smem:$0x3FB6] =	sst s8  }
0x11: {  	[smem:$0x3FB7] =	sst s9;
	s0 =	simm.s32 @!p0 $0x0  }
0x12: {  	s1 =	sld [smem:$0x3F9D];
	s0 =	simm.s32 @p0 $0x1  }
0x13: {  	[smem:$0x3FB8] =	sst s0;
	s0 =	simm.s32 @!p1 $0x0  }
0x14: {  	s2 =	sld [smem:$0x3F9C];
	s0 =	simm.s32 @p1 $0x1  }
0x15: {  	[smem:$0x3FB9] =	sst s0;
	s0 =	simm.s32 @!p2 $0x0  }
0x16: {  	s3 =	sld [smem:$0x3FDB];
	s0 =	simm.s32 @p2 $0x1  }
0x17: {  	s4 =	simm.s32 $0x1BF5;
	[smem:$0x3FBB] =	sst s0  }
0x18: {  	s0 =	sld [smem:$0x3F9E];
	_ =	swait.ge [sflag:s4], $0x0  }
0x19: {  	s7 =	sld [smem:$0x3F9F]  }
0x1a: {  	s8 =	sadd.s32 $0xFFFFE003, lr  }
0x1b: {  	s9 =	sadd.s32 $0xFFFFFEF7, lr;
	s5 =	simm.s32 $0xFFFFFFFF;
	p2 =	slt.u32 s8, $0xFFFFF086  }
0x1c: {  	p1 =	slt.u32 s9, $0xF7A;
	s5 =	simm.s32 @!p2 $0x0  }
0x1d: {  	s5 =	simm.s32 @p1 $0x1;
	p0 =	seq.s32 s7, s2  }
0x1e: {  	s7 =	smul.u32 @!p0 $0xF7A, s2;
	p2 =	seq.s32 @!p0 s5, $0x0  }
0x1f: {  	s9 =	smul.u32 $0xF7A, s1;
	s8 =	simm.s32 @!p0 $0x1BF5;
	p2 =	por !p2, p0  }
0x20: {  	[sflag:s8] =	ssyncset.s32 @!p0 $0xFFFFF086;
	s6 =	sadd.s32 @!p0 s3, s7;
	s7 =	simm.s32 @!p0 $0x108  }
0x21: {  	s3 =	sadd.s32 s3, s9;
	s6 =	sadd.s32 @!p0 $0x88, s6;
	s7 =	simm.s32 @p2 $0x1082  }
0x22: {  	[simem:s7], [sflag:s8] =	dma.local @!p0 [hbm:s6], $0xF7A  }
0x23: {  	s9 =	sor.u32 $0xD0000000, s2;
	s6 =	simm.s32 $0x108;
	_ =	swait.ge @!p0 [sflag:s8], $0x0  }
0x24: {  	s3 =	sadd.s32 $0x88, s3;
	s6 =	simm.s32 @!p1 $0x1082;
	[sflag:s4] =	ssyncset.s32 $0xFFFFF086  }
0x25: {  	[simem:s6], [sflag:s4] =	dma.local [hbm:s3], $0xF7A  }
0x26: {  	[smem:$0x3F9F] =	sst s1;
	(tag) =	ssettag s2;
	_ =	strace s9  }
0x27: {  	s1 =	sld [smem:$0x3FAF]  }
0x28: {  	s2 =	sld [smem:$0x3FB0]  }
0x29: {  	s4 =	sld [smem:$0x3FB2]  }
0x2a: {  	p0 =	seq.s32 s5, $0x0;
	s5 =	sld [smem:$0x3FB3]  }
0x2b: {  	s6 =	sld [smem:$0x3FB4]  }
0x2c: {  	s7 =	sld [smem:$0x3FB5]  }
0x2d: {  	s3 =	simm.s32 $0x108;
	s8 =	sld [smem:$0x3FB6]  }
0x2e: {  	s3 =	simm.s32 @!p0 $0x1082;
	s9 =	sld [smem:$0x3FB7]  }
0x2f: {  	lr =	sadd.s32 s0, s3;
	s0 =	sld [smem:$0x3FAE]  }
0x30: {  	s3 =	sld [smem:$0x3FB1]  }
0x31: {  	[smem:$0x3FBA] =	sst s10  }
0x32: {  	s10 =	sld [smem:$0x3FB8];
	_ =	sdelay $0x3  }
0x33: {  	p0 =	seq.s32 s10, $0x1;
	s10 =	sld [smem:$0x3FBA];
	_ =	sdelay $0x3  }
0x34: {  	[smem:$0x3FBA] =	sst s10  }
0x35: {  	s10 =	sld [smem:$0x3FB9];
	_ =	sdelay $0x3  }
0x36: {  	p1 =	seq.s32 s10, $0x1;
	s10 =	sld [smem:$0x3FBA];
	_ =	sdelay $0x3  }
0x37: {  	[smem:$0x3FBA] =	sst s10  }
0x38: {  	s10 =	sld [smem:$0x3FBB]  }
0x39: {  	_ = 	snop;
	(pc) =	sbr.ind lr, $3  }
0x3a: {  	_ = 	snop  }
0x3b: {  	_ = 	snop  }
0x3c: {  	p2 =	seq.s32 s10, $0x1;
	s10 =	sld [smem:$0x3FBA]  }
0x3d: {  	_ =	shalt  }
0x3e: {  	_ =	shalt  }
0x3f: {  	_ =	shalt  }
0x40: {  	_ =	shalt  }
0x41: {  	_ =	shalt  }
0x42: {  	_ =	shalt  }
0x43: {  	_ =	shalt  }
0x44: {  	_ =	shalt  }
0x45: {  	_ =	shalt  }
0x46: {  	_ =	shalt  }
0x47: {  	_ =	shalt  }
0x48: {  	_ =	shalt  }
0x49: {  	_ =	shalt  }
0x4a: {  	_ =	shalt  }
0x4b: {  	_ =	shalt  }
0x4c: {  	_ =	shalt  }
0x4d: {  	_ =	shalt  }
0x4e: {  	_ =	shalt  }
0x4f: {  	_ =	shalt  }
0x50: {  	_ =	shalt  }
0x51: {  	_ =	shalt  }
0x52: {  	_ =	shalt  }
0x53: {  	_ =	shalt  }
0x54: {  	_ =	shalt  }
0x55: {  	_ =	shalt  }
0x56: {  	_ =	shalt  }
0x57: {  	_ =	shalt  }
0x58: {  	_ =	shalt  }
0x59: {  	_ =	shalt  }
0x5a: {  	_ =	shalt  }
0x5b: {  	_ =	shalt  }
0x5c: {  	_ =	shalt  }
0x5d: {  	_ =	shalt  }
0x5e: {  	_ =	shalt  }
0x5f: {  	_ =	shalt  }
0x60: {  	_ =	shalt  }
0x61: {  	_ =	shalt  }
0x62: {  	_ =	shalt  }
0x63: {  	_ =	shalt  }
0x64: {  	_ =	shalt  }
0x65: {  	_ =	shalt  }
0x66: {  	_ =	shalt  }
0x67: {  	_ =	shalt  }
0x68: {  	_ =	shalt  }
0x69: {  	_ =	shalt  }
0x6a: {  	_ =	shalt  }
0x6b: {  	_ =	shalt  }
0x6c: {  	_ =	shalt  }
0x6d: {  	_ =	shalt  }
0x6e: {  	_ =	shalt  }
0x6f: {  	_ =	shalt  }
0x70: {  	_ =	shalt  }
0x71: {  	_ =	shalt  }
0x72: {  	_ =	shalt  }
0x73: {  	_ =	shalt  }
0x74: {  	_ =	shalt  }
0x75: {  	_ =	shalt  }
0x76: {  	_ =	shalt  }
0x77: {  	_ =	shalt  }
0x78: {  	_ =	shalt  }
0x79: {  	_ =	shalt  }
0x7a: {  	_ =	shalt  }
0x7b: {  	_ =	shalt  }
0x7c: {  	_ =	shalt  }
0x7d: {  	_ =	shalt  }
0x7e: {  	_ =	shalt  }
0x7f: {  	_ =	shalt  }
0x80: {  	_ =	shalt  }
0x81: {  	_ =	shalt  }
0x82: {  	_ =	shalt  }
0x83: {  	_ =	shalt  }
0x84: {  	_ =	shalt  }
0x85: {  	_ =	shalt  }
0x86: {  	_ =	shalt  }
0x87: {  	_ =	shalt  }
.Lfunc_end0:
.L_simem_size_0:
called_computation_lowered:
.L_overlay_start_0:
0x88: {  	s2 =	sld [smem:$0x3FD9]  }
0x89: {  	s3 =	sld [smem:$0x3FFE];
	_ =	sdelay $0x1  }
0x8a: {  	s1 =	srdreg.scid  }
0x8b: {  	s0 =	sand.u32 $0x1, s1  }
0x8c: {  	s18 =	sshll.u32 s0, $0xA;
	s2 =	sadd.s32 s3, s2  }
0x8d: {  	s2 =	sadd.s32 s2, s18  }
0x8e: {  	[smem:$0x3FC6] =	sst s2  }
0x8f: {  	_ = 	snop  }
0x90: {  	s2 =	sld [smem:$0x3FC9]  }
0x91: {  	s19 =	sld [smem:$0x3FC8]  }
0x92: {  	s4 =	sld [smem:$0x3FD0];
	(tm) =	ssettm $0x1  }
0x93: {  	s5 =	sld [smem:$0x3FFB];
	_ =	sdelay $0x3  }
0x94: {  	_ =	strace s5  }
0x95: {  	s5 =	sld [smem:$0x3FFC];
	_ =	sdelay $0x3  }
0x96: {  	_ =	strace s5  }
0x97: {  	s5 =	sld [smem:$0x3FFD];
	_ =	sdelay $0x3  }
0x98: {  	_ =	strace s5  }
0x99: {  	_ =	strace $0x8FFFFFFF  }
0x9a: {  	s20 =	sld [smem:$0x3FDB];
	_ =	sdelay $0x1  }
0x9b: {  	s6 =	simm.s32 $_scs_section_size  }
0x9c: {  	s7 =	simm.s32 $_size__tile_overlayer_lowered;
	s8 =	simm.s32 $_tile_overlayer_lowered  }
0x9d: {  	s23 =	simm.s32 $0x1BFF;
	s22 =	sshll.u32 s8, $0x1;
	s5 =	sadd.s32 s6, s20  }
0x9e: {  	s9 =	simm.s32 $0x0;
	s21 =	sshll.u32 s7, $0x1;
	s7 =	sadd.s32 s22, s5  }
0x9f: {  	[timem:s9], [sflag:s23] =	dma.local [hbm:s7], s21  }
0xa0: {  	_ =	swait.ge [sflag:s23], s21  }
0xa1: {  	s6 =	ssub.s32 $0x0, s21;
	[sflag:s23] =	ssyncset.done $0x0  }
0xa2: {  	[sflag:s23] =	ssyncadd.s32 s6;
	_ =	sdelay $0x1  }
0xa3: {  	s24 =	simm.s32 $0x1B8B  }
0xa4: {  	_ =	swait.ge [sflag:s24], $0x1  }
0xa5: {  	[sflag:s24] =	ssyncset.done $0x0  }
0xa6: {  	s25 =	simm.s32 $0x1B8E;
	[sflag:s24] =	ssyncadd.s32 $0xFFFFFFFF  }
0xa7: {  	s26 =	simm.s32 $execute0_lowered;
	[smem:$0x3FD2] =	sst s25  }
0xa8: {  	s6 =	sshll.u32 s26, $0x1;
	_ =	strace $0x80000046;
	[dreg:$0x1] =	wrdreg $0xFFFFFFFF  }
0xa9: {  	s28 =	simm.s32 $_size_execute0_lowered;
	s5 =	sadd.s32 s5, s6;
	[dreg:$0x0] =	wrdreg $0x0  }
0xaa: {  	s6 =	sshll.u32 s28, $0x1;
	[dreg:$0x2] =	wrdreg s5  }
0xab: {  	[dreg:$0x3] =	wrdreg s6  }
0xac: {  	[dreg:$0x4] =	wrdreg $0xC0  }
0xad: {  	_ =	task [dreg:s9], $0x5FFFF  }
0xae: {  	[dreg:$0x1] =	wrdreg $0xFFFFFFFF  }
0xaf: {  	[dreg:$0x0] =	wrdreg $0x60  }
0xb0: {  	[dreg:$0x2] =	wrdreg s2  }
0xb1: {  	[dreg:$0x3] =	wrdreg s19  }
0xb2: {  	[dreg:$0x4] =	wrdreg s4  }
0xb3: {  	[dreg:$0x5] =	wrdreg $0x9  }
0xb4: {  	_ =	task.clear_ibuf [dreg:s9], $0x6FFFF;
	_ =	strace $0x90000046  }
0xb5: {  	s29 =	simm.s32 $0x9;
	_ =	strace $0x80000048  }
0xb6: {  	_ =	swait.ge [sflag:s29], $0x1  }
0xb7: {  	[sflag:s29] =	ssyncadd.s32 $0xFFFFFFFF  }
0xb8: {  	_ =	strace $0x90000048  }
0xb9: {  	_ =	sfence  }
0xba: {  	s30 =	sld [smem:$0x0];
	_ =	sdelay $0x2  }
0xbb: {  	s31 =	sshll.u32 s1, $0xD;
	s1 =	sshrl.u32 s1, $0x2  }
0xbc: {  	s3 =	sand.u32 $0x4000, s31;
	s1 =	sadd.s32 s1, s30  }
0xbd: {  	s0 =	sor.u32 s3, s0;
	s1 =	sshll.u32 s1, $0x11  }
0xbe: {  	s0 =	sor.u32 s1, s0  }
0xbf: {  	s0 =	sadd.s32 $0x8F2B, s0  }
0xc0: {  	[sflag:s0] =	ssyncadd.remote.s32 $0x1  }
0xc1: {  	_ =	sfence.sel $0xFFFF  }
0xc2: {  	[dreg:$0x0] =	wrdreg $0xFFFFFFFF;
	(pc) =	sbr.abs _section_cstart, $3  }
0xc3: {  	[dreg:$0x1] =	wrdreg $0xFFFFFFFF  }
0xc4: {  	_ =	task.clear_ibuf [dreg:s9], $0x2FFFF;
	_ =	strace $0x9FFFFFFF  }
0xc5: {  	(tm) =	ssettm $0x7FFFFFFF  }
tec
execute0_lowered:
.L_overlay_start_1:
0x0: {  	(tag) =	ssettag $0x1  }
0x1: {  	s1 =	rddreg [dreg:$0x0];
	s2 =	srdreg.scid  }
0x2: {  	s0 =	stileid.u32;
	s4 =	rddreg [dreg:$0x2];
	s13 =	simm.s32 $0xC880  }
0x3: {  	s14 =	simm.s32 $0x1;
	s15 =	simm.s32 $0x19080;
	s7 =	sand.u32 $0x1, s2  }
0x4: {  	s16 =	simm.s32 $0x2;
	s5 =	sshll.u32 s0, $0xA;
	s6 =	sshll.u32 s7, $0x9  }
0x5: {  	s17 =	simm.s32 $0x3;
	s7 =	ssub.s32 $0x2, s7;
	s5 =	sor.u32 s6, s5  }
0x6: {  	s6 =	simm.s32 $0x0;
	s8 =	sshrl.u32 s7, $0x1;
	s10 =	sshrl.u32 s5, $0x3  }
0x7: {  	[smem:$0x7FF] =	sst s6;
	s11 =	ssub.s32 s7, s8;
	s9 =	smul.u32 $0x1900, s10  }
0x8: {  	s18 =	simm.s32 $0x0;
	_ =	strace $0x80000047;
	s31 =	smax.u32 s11, $0x1  }
0x9: {  	s8 =	sor.u32 $0x2, s10;
	[dreg:$0x5] =	wrdreg s31;
	s30 =	sadd.s32 s1, s9  }
0xa: {  	s10 =	sor.u32 $0x1, s10;
	s11 =	simm.s32 $0x4;
	[dreg:$0x4] =	wrdreg s30  }
.LBB2_1:
0xb: {  	s0 =	rddreg [dreg:$0x1]  }
0xc: {  	[tilespmem:s6], [sflag:$0x4] =	stream.linear.gather [hbm4b:s0+s6], $0x80, $0x38;
	[tilespmem:$0x1F480] =	vst v63  }
0xd: {  	_ =	swait.ge [sflag:s11], $0x80  }
0xe: {  	[sflag:s11] =	ssyncset.done $0x0  }
0xf: {  	[sflag:s11] =	ssyncadd.s32 $0xFFFFFF80  }
0x10: {  	v0 =	vld [tilespmem:$0x0];
	_ =	sdelay $0x4  }
0x11: {  	(v2sf) =	vpush v0, $0x0  }
0x12: {  	(v2sf) =	vpush v0, $0x1  }
0x13: {  	(v2sf) =	vpush v0, $0x2  }
0x14: {  	(v2sf) =	vpush v0, $0x3  }
0x15: {  	(v2sf) =	vpush v0, $0x4  }
0x16: {  	(v2sf) =	vpush v0, $0x5  }
0x17: {  	(v2sf) =	vpush v0, $0x6  }
0x18: {  	(v2sf) =	vpush v0, $0x7  }
0x19: {  	(v2sf) =	vpush v0, $0x8  }
0x1a: {  	(v2sf) =	vpush v0, $0x9  }
0x1b: {  	(v2sf) =	vpush v0, $0xA  }
0x1c: {  	v1 =	vld [tilespmem:$0x10];
	(v2sf) =	vpush v0, $0xB  }
0x1d: {  	(v2sf) =	vpush v0, $0xC  }
0x1e: {  	(v2sf) =	vpush v0, $0xD  }
0x1f: {  	(v2sf) =	vpush v0, $0xE  }
0x20: {  	s19 =	spop (v2sf);
	(v2sf) =	vpush v0, $0xF  }
0x21: {  	[smem:$0x0] =	sst s19;
	s2 =	spop (v2sf);
	(v2sf) =	vpush v1, $0x0  }
0x22: {  	[smem:$0x1] =	sst s2;
	s3 =	spop (v2sf);
	(v2sf) =	vpush v1, $0x1  }
0x23: {  	[smem:$0x2] =	sst s3;
	s7 =	spop (v2sf);
	(v2sf) =	vpush v1, $0x2  }
0x24: {  	[smem:$0x3] =	sst s7;
	s9 =	spop (v2sf);
	(v2sf) =	vpush v1, $0x3  }
0x25: {  	[smem:$0x4] =	sst s9;
	s12 =	spop (v2sf);
	(v2sf) =	vpush v1, $0x4  }
0x26: {  	[smem:$0x5] =	sst s12;
	s20 =	spop (v2sf);
	(v2sf) =	vpush v1, $0x5  }
0x27: {  	[smem:$0x6] =	sst s20;
	s21 =	spop (v2sf);
	(v2sf) =	vpush v1, $0x6  }
0x28: {  	[smem:$0x7] =	sst s21;
	s22 =	spop (v2sf);
	(v2sf) =	vpush v1, $0x7  }
0x29: {  	[smem:$0x8] =	sst s22;
	s23 =	spop (v2sf);
	(v2sf) =	vpush v1, $0x8  }
0x2a: {  	[smem:$0x9] =	sst s23;
	s24 =	spop (v2sf);
	(v2sf) =	vpush v1, $0x9  }
0x2b: {  	[smem:$0xA] =	sst s24;
	s25 =	spop (v2sf);
	(v2sf) =	vpush v1, $0xA  }
0x2c: {  	v62 =	vld [tilespmem:$0x20];
	[smem:$0xB] =	sst s25;
	s26 =	spop (v2sf);
	(v2sf) =	vpush v1, $0xB  }
0x2d: {  	[smem:$0xC] =	sst s26;
	s28 =	spop (v2sf);
	(v2sf) =	vpush v1, $0xC  }
0x2e: {  	[smem:$0xD] =	sst s28;
	s29 =	spop (v2sf);
	(v2sf) =	vpush v1, $0xD  }
0x2f: {  	[smem:$0xE] =	sst s29;
	s30 =	spop (v2sf);
	(v2sf) =	vpush v1, $0xE  }
0x30: {  	[smem:$0xF] =	sst s30;
	s31 =	spop (v2sf);
	(v2sf) =	vpush v1, $0xF  }
0x31: {  	[smem:$0x10] =	sst s31;
	s0 =	spop (v2sf);
	(v2sf) =	vpush v62, $0x0  }
0x32: {  	[smem:$0x11] =	sst s0;
	s2 =	spop (v2sf)  }
0x33: {  	(v2sf) =	vpush v62, $0x1;
	[smem:$0x12] =	sst s2;
	s3 =	spop (v2sf)  }
0x34: {  	(v2sf) =	vpush v62, $0x2;
	[smem:$0x13] =	sst s3;
	s7 =	spop (v2sf)  }
0x35: {  	(v2sf) =	vpush v62, $0x3;
	[smem:$0x14] =	sst s7;
	s9 =	spop (v2sf)  }
0x36: {  	(v2sf) =	vpush v62, $0x4;
	[smem:$0x15] =	sst s9;
	s12 =	spop (v2sf)  }
0x37: {  	(v2sf) =	vpush v62, $0x5;
	[smem:$0x16] =	sst s12;
	s20 =	spop (v2sf)  }
0x38: {  	[smem:$0x17] =	sst s20;
	s21 =	spop (v2sf)  }
0x39: {  	(v2sf) =	vpush v62, $0x6;
	[smem:$0x18] =	sst s21;
	s22 =	spop (v2sf)  }
0x3a: {  	(v2sf) =	vpush v62, $0x7;
	[smem:$0x19] =	sst s22;
	s23 =	spop (v2sf)  }
0x3b: {  	(v2sf) =	vpush v62, $0x8;
	[smem:$0x1A] =	sst s23;
	s24 =	spop (v2sf)  }
0x3c: {  	(v2sf) =	vpush v62, $0x9;
	[smem:$0x1B] =	sst s24;
	s25 =	spop (v2sf)  }
0x3d: {  	(v2sf) =	vpush v62, $0xA;
	[smem:$0x1C] =	sst s25;
	s26 =	spop (v2sf)  }
0x3e: {  	v63 =	vld [tilespmem:$0x30];
	(v2sf) =	vpush v62, $0xB;
	[smem:$0x1D] =	sst s26;
	s28 =	spop (v2sf)  }
0x3f: {  	(v2sf) =	vpush v62, $0xC;
	[smem:$0x1E] =	sst s28;
	s29 =	spop (v2sf)  }
0x40: {  	(v2sf) =	vpush v62, $0xD;
	[smem:$0x1F] =	sst s29;
	s30 =	spop (v2sf)  }
0x41: {  	(v2sf) =	vpush v62, $0xE;
	[smem:$0x20] =	sst s30  }
0x42: {  	(v2sf) =	vpush v62, $0xF;
	s31 =	spop (v2sf);
	s30 =	rddreg [dreg:$0x4]  }
0x43: {  	(v2sf) =	vpush v63, $0x0;
	[smem:$0x21] =	sst s31;
	s0 =	spop (v2sf)  }
0x44: {  	(v2sf) =	vpush v63, $0x1;
	[smem:$0x22] =	sst s0;
	s2 =	spop (v2sf)  }
0x45: {  	[smem:$0x23] =	sst s2;
	s3 =	spop (v2sf)  }
0x46: {  	s2 =	simm.s32 $0x80;
	[smem:$0x24] =	sst s3;
	s7 =	spop (v2sf)  }
0x47: {  	[tilespmem:s2], [sflag:$0x1] =	stream.linear.gather [hbm4b:s30+s6], $0xC800, $0x38;
	[tilespmem:$0x1F480] =	vst v63  }
0x48: {  	[smem:$0x25] =	sst s7;
	s9 =	spop (v2sf)  }
0x49: {  	[smem:$0x26] =	sst s9;
	s12 =	spop (v2sf)  }
0x4a: {  	[smem:$0x27] =	sst s12;
	s20 =	spop (v2sf)  }
0x4b: {  	[smem:$0x28] =	sst s20;
	s21 =	spop (v2sf)  }
0x4c: {  	[smem:$0x29] =	sst s21;
	s22 =	spop (v2sf)  }
0x4d: {  	[smem:$0x2A] =	sst s22;
	s23 =	spop (v2sf)  }
0x4e: {  	[smem:$0x2B] =	sst s23;
	s24 =	spop (v2sf)  }
0x4f: {  	[smem:$0x2C] =	sst s24;
	s25 =	spop (v2sf)  }
0x50: {  	[smem:$0x2D] =	sst s25;
	s26 =	spop (v2sf)  }
0x51: {  	[smem:$0x2E] =	sst s26;
	s28 =	spop (v2sf)  }
0x52: {  	[smem:$0x2F] =	sst s28;
	s29 =	spop (v2sf)  }
0x53: {  	[smem:$0x30] =	sst s29;
	s31 =	spop (v2sf)  }
0x54: {  	s19 =	simm.s32 $0x0;
	[smem:$0x31] =	sst s31  }
.LBB2_2:
0x55: {  	s21 =	sshll.u32 s19, $0x1  }
0x56: {  	s20 =	sor.u32 s10, s21  }
0x57: {  	s22 =	smul.u32 $0x1900, s20;
	_ =	sdelay $0x1  }
0x58: {  	s22 =	sadd.s32 s1, s22  }
0x59: {  	[tilespmem:s13], [sflag:$0x2] =	stream.linear.gather [hbm4b:s22+s6], $0xC800, $0x38;
	[tilespmem:$0x1F480] =	vst v63  }
0x5a: {  	_ =	swait.ge [sflag:s14], $0xC800  }
0x5b: {  	p0 =	seq.s32 s19, $0x0;
	[sflag:s14] =	ssyncset.done $0x0  }
0x5c: {  	s23 =	simm.s32 @!p0 $0x3;
	[sflag:s14] =	ssyncadd.s32 $0xFFFF3800  }
0x5d: {  	s31 =	sshll.u32 s19, $0x4;
	s24 =	simm.s32 $0x0;
	_ =	swait.ge @!p0 [sflag:s23], $0x6400  }
0x5e: {  	s25 =	simm.s32 $0x0;
	s22 =	sadd.s32 s5, s31;
	[sflag:s23] =	ssyncset.done @!p0 $0x0  }
0x5f: {  	[sflag:s23] =	ssyncadd.s32 @!p0 $0xFFFF9C00;
	p0 =	por $0x0, $0x0;
	s23 =	simm.s32 $0x0  }
.LBB2_3:
0x60: {  	s26 =	sld [smem:s23+$0x0];
	_ =	sdelay $0x2  }
0x61: {  	s28 =	sshll.u32 s26, $0x3  }
0x62: {  	s29 =	sand.u32 $0xFFFFFC00, s28  }
0x63: {  	s26 =	sand.u32 $0x40, s26;
	s29 =	sor.u32 $0x80, s29  }
0x64: {  	s31 =	sor.u32 $0x10, s26;
	s30 =	sor.u32 s26, s29  }
0x65: {  	s0 =	sor.u32 $0x20, s26;
	s2 =	sor.u32 s31, s29;
	v0 =	vld [tilespmem:s30+$0x0]  }
0x66: {  	s12 =	sor.u32 $0x30, s26;
	s3 =	sor.u32 s0, s29;
	v1 =	vld [tilespmem:s2+$0x0]  }
0x67: {  	s29 =	sor.u32 s12, s29;
	v2 =	vld [tilespmem:s3+$0x0]  }
0x68: {  	v3 =	vld [tilespmem:s29+$0x0]  }
0x69: {  	v4 =	vld [tilespmem:s30+$0x80]  }
0x6a: {  	v5 =	vld [tilespmem:s2+$0x80]  }
0x6b: {  	s7 =	sand.u32 $0x40, s24;
	s9 =	sand.u32 $0x7C00, s25;
	v6 =	vld [tilespmem:s3+$0x80]  }
0x6c: {  	s7 =	sor.u32 s7, s9;
	v7 =	vld [tilespmem:s29+$0x80]  }
0x6d: {  	v8 =	vld [tilespmem:s30+$0x100];
	[tilespmem:s7+$0x19080] =	vst v0;
	s7 =	sadd.s32 $0x19080, s7  }
0x6e: {  	v0 =	vld [tilespmem:s2+$0x100];
	[tilespmem:s7+$0x10] =	vst v1  }
0x6f: {  	v1 =	vld [tilespmem:s3+$0x100];
	[tilespmem:s7+$0x20] =	vst v2  }
0x70: {  	v2 =	vld [tilespmem:s29+$0x100];
	[tilespmem:s7+$0x30] =	vst v3  }
0x71: {  	v3 =	vld [tilespmem:s30+$0x180];
	[tilespmem:s7+$0x80] =	vst v4  }
0x72: {  	v4 =	vld [tilespmem:s2+$0x180];
	[tilespmem:s7+$0x90] =	vst v5  }
0x73: {  	s2 =	sor.u32 s26, s28;
	v5 =	vld [tilespmem:s3+$0x180];
	[tilespmem:s7+$0xA0] =	vst v6  }
0x74: {  	s3 =	sor.u32 s28, s31;
	v6 =	vld [tilespmem:s29+$0x180];
	[tilespmem:s7+$0xB0] =	vst v7;
	s29 =	sor.u32 $0x200, s2  }
0x75: {  	s0 =	sor.u32 s28, s0;
	s30 =	sor.u32 $0x200, s3;
	v7 =	vld [tilespmem:s29+$0x80];
	[tilespmem:s7+$0x100] =	vst v8  }
0x76: {  	s9 =	sor.u32 s28, s12;
	s31 =	sor.u32 $0x200, s0;
	v8 =	vld [tilespmem:s30+$0x80];
	[tilespmem:s7+$0x110] =	vst v0  }
0x77: {  	s12 =	sor.u32 $0x200, s9;
	v0 =	vld [tilespmem:s31+$0x80];
	[tilespmem:s7+$0x120] =	vst v1  }
0x78: {  	s26 =	sor.u32 $0x280, s2;
	v1 =	vld [tilespmem:s12+$0x80];
	[tilespmem:s7+$0x130] =	vst v2  }
0x79: {  	v2 =	vld [tilespmem:s26+$0x80];
	s26 =	simm.s32 $0x1  }
0x7a: {  	s28 =	sor.u32 $0x280, s3;
	[tilespmem:s7+$0x180] =	vst v3;
	s26 =	simm.s32 @!p0 $0x0  }
0x7b: {  	s29 =	sor.u32 $0x280, s0;
	v3 =	vld [tilespmem:s28+$0x80];
	[tilespmem:s7+$0x190] =	vst v4;
	s26 =	sshll.u32 s26, $0x6  }
0x7c: {  	s30 =	sor.u32 $0x280, s9;
	v4 =	vld [tilespmem:s29+$0x80];
	[tilespmem:s7+$0x1A0] =	vst v5;
	s12 =	sadd.s32 s26, s25  }
0x7d: {  	s31 =	sor.u32 $0x300, s2;
	v5 =	vld [tilespmem:s30+$0x80];
	[tilespmem:s7+$0x1B0] =	vst v6;
	s28 =	sor.u32 $0x200, s12;
	s26 =	sadd.s32 $0x10, s12  }
0x7e: {  	s29 =	sor.u32 $0x300, s3;
	v6 =	vld [tilespmem:s31+$0x80];
	[tilespmem:s28+$0x19080] =	vst v7;
	s30 =	sor.u32 $0x200, s26;
	s28 =	sadd.s32 $0x20, s12  }
0x7f: {  	s31 =	sor.u32 $0x300, s0;
	v7 =	vld [tilespmem:s29+$0x80];
	[tilespmem:s30+$0x19080] =	vst v8;
	s29 =	sor.u32 $0x200, s28  }
0x80: {  	v8 =	vld [tilespmem:s31+$0x80];
	[tilespmem:s29+$0x19080] =	vst v0;
	s29 =	sadd.s32 $0x30, s12  }
0x81: {  	s30 =	sor.u32 $0x300, s9;
	s31 =	sor.u32 $0x200, s29  }
0x82: {  	s2 =	sor.u32 $0x380, s2;
	v0 =	vld [tilespmem:s30+$0x80];
	s30 =	sor.u32 $0x280, s12;
	[tilespmem:s31+$0x19080] =	vst v1  }
0x83: {  	s31 =	sor.u32 $0x380, s3;
	s3 =	sor.u32 $0x280, s26;
	v1 =	vld [tilespmem:s2+$0x80];
	[tilespmem:s30+$0x19080] =	vst v2  }
0x84: {  	s0 =	sor.u32 $0x380, s0;
	s7 =	sor.u32 $0x280, s28;
	v2 =	vld [tilespmem:s31+$0x80];
	[tilespmem:s3+$0x19080] =	vst v3  }
0x85: {  	s30 =	sor.u32 $0x380, s9;
	s31 =	sor.u32 $0x280, s29;
	v3 =	vld [tilespmem:s0+$0x80];
	[tilespmem:s7+$0x19080] =	vst v4  }
0x86: {  	s2 =	sor.u32 $0x300, s12;
	v4 =	vld [tilespmem:s30+$0x80];
	[tilespmem:s31+$0x19080] =	vst v5  }
0x87: {  	s3 =	sor.u32 $0x300, s26;
	[tilespmem:s2+$0x19080] =	vst v6  }
0x88: {  	s7 =	sor.u32 $0x300, s28;
	[tilespmem:s3+$0x19080] =	vst v7  }
0x89: {  	p1 =	sne.s32 s25, $0x6200;
	s9 =	sor.u32 $0x300, s29;
	[tilespmem:s7+$0x19080] =	vst v8  }
.Ltmp0:
0x8a: {  	s12 =	sor.u32 $0x380, s12;
	[tilespmem:s9+$0x19080] =	vst v0;
	(pc) =	sbr.rel @p1 .LBB2_3-.Ltmp0, $4  }
0x8b: {  	s26 =	sor.u32 $0x380, s26;
	[tilespmem:s12+$0x19080] =	vst v1  }
0x8c: {  	s30 =	sor.u32 $0x380, s28;
	[tilespmem:s26+$0x19080] =	vst v2  }
0x8d: {  	s24 =	sadd.s32 $0x40, s24;
	s31 =	sor.u32 $0x380, s29;
	[tilespmem:s30+$0x19080] =	vst v3  }
0x8e: {  	s23 =	sadd.s32 $0x1, s23;
	p0 =	por !p0, !p0;
	s25 =	sadd.s32 $0x200, s25;
	[tilespmem:s31+$0x19080] =	vst v4  }
0x8f: {  	s0 =	sshrl.u32 s22, $0x3  }
0x90: {  	p0 =	seq.s32 s19, $0x1F;
	s0 =	smul.u32 $0xC80, s0  }
0x91: {  	s2 =	sadd.s32 @!p0 s21, s8  }
0x92: {  	s2 =	smul.u32 @!p0 $0x1900, s2;
	s0 =	sadd.s32 s4, s0  }
0x93: {  	[hbm4b:s0+s6] =	stream.linear.scatter [tilespmem:s15], [sflag:$0x3], $0x6400, $0x38;
	[tilespmem:$0x1F480] =	vst v63  }
0x94: {  	s3 =	simm.s32 @!p0 $0x80;
	s0 =	sadd.s32 @!p0 s1, s2;
	s2 =	simm.s32 @!p0 $0x0  }
0x95: {  	[tilespmem:s3], [sflag:$0x1] =	stream.linear.gather @!p0 [hbm4b:s0+s2], $0xC800, $0x38;
	[tilespmem:$0x1F480] =	vst v63  }
0x96: {  	_ =	swait.ge [sflag:s16], $0xC800  }
0x97: {  	[sflag:s16] =	ssyncset.done $0x0  }
0x98: {  	[sflag:s16] =	ssyncadd.s32 $0xFFFF3800  }
0x99: {  	_ =	swait.ge [sflag:s17], $0x6400  }
0x9a: {  	s22 =	simm.s32 $0x0;
	s23 =	simm.s32 $0x0;
	[sflag:s17] =	ssyncset.done $0x0  }
0x9b: {  	s21 =	simm.s32 $0x0;
	p0 =	por $0x0, $0x0;
	[sflag:s17] =	ssyncadd.s32 $0xFFFF9C00  }
.LBB2_5:
0x9c: {  	s0 =	sld [smem:s21+$0x0];
	_ =	sdelay $0x2  }
0x9d: {  	s2 =	sshll.u32 s0, $0x3  }
0x9e: {  	s3 =	sand.u32 $0xFFFFFC00, s2  }
0x9f: {  	s0 =	sand.u32 $0x40, s0;
	s3 =	sadd.s32 $0xC880, s3  }
0xa0: {  	s9 =	sor.u32 $0x10, s0;
	s7 =	sor.u32 s0, s3  }
0xa1: {  	s24 =	sor.u32 $0x20, s0;
	s12 =	sor.u32 s9, s3;
	v0 =	vld [tilespmem:s7+$0x0]  }
0xa2: {  	s26 =	sor.u32 $0x30, s0;
	s25 =	sor.u32 s24, s3;
	v1 =	vld [tilespmem:s12+$0x0]  }
0xa3: {  	s3 =	sor.u32 s26, s3;
	v2 =	vld [tilespmem:s25+$0x0]  }
0xa4: {  	v3 =	vld [tilespmem:s3+$0x0]  }
0xa5: {  	v4 =	vld [tilespmem:s7+$0x80]  }
0xa6: {  	v5 =	vld [tilespmem:s12+$0x80]  }
0xa7: {  	s28 =	sand.u32 $0x40, s22;
	s29 =	sand.u32 $0x7C00, s23;
	v6 =	vld [tilespmem:s25+$0x80]  }
0xa8: {  	s28 =	sor.u32 s28, s29;
	v7 =	vld [tilespmem:s3+$0x80]  }
0xa9: {  	v8 =	vld [tilespmem:s7+$0x100];
	[tilespmem:s28+$0x19080] =	vst v0;
	s28 =	sadd.s32 $0x19080, s28  }
0xaa: {  	v0 =	vld [tilespmem:s12+$0x100];
	[tilespmem:s28+$0x10] =	vst v1  }
0xab: {  	v1 =	vld [tilespmem:s25+$0x100];
	[tilespmem:s28+$0x20] =	vst v2  }
0xac: {  	v2 =	vld [tilespmem:s3+$0x100];
	[tilespmem:s28+$0x30] =	vst v3  }
0xad: {  	v3 =	vld [tilespmem:s7+$0x180];
	[tilespmem:s28+$0x80] =	vst v4  }
0xae: {  	v4 =	vld [tilespmem:s12+$0x180];
	[tilespmem:s28+$0x90] =	vst v5  }
0xaf: {  	s0 =	sor.u32 s0, s2;
	v5 =	vld [tilespmem:s25+$0x180];
	[tilespmem:s28+$0xA0] =	vst v6  }
0xb0: {  	s25 =	sor.u32 $0x200, s0;
	v6 =	vld [tilespmem:s3+$0x180];
	[tilespmem:s28+$0xB0] =	vst v7;
	s3 =	sor.u32 s2, s9  }
0xb1: {  	s7 =	sor.u32 s2, s24;
	v7 =	vld [tilespmem:s25+$0xC880];
	[tilespmem:s28+$0x100] =	vst v8;
	s29 =	sor.u32 $0x200, s3  }
0xb2: {  	s30 =	sor.u32 $0x200, s7;
	s2 =	sor.u32 s2, s26;
	v8 =	vld [tilespmem:s29+$0xC880];
	[tilespmem:s28+$0x110] =	vst v0  }
0xb3: {  	s31 =	sor.u32 $0x200, s2;
	v0 =	vld [tilespmem:s30+$0xC880];
	[tilespmem:s28+$0x120] =	vst v1  }
0xb4: {  	s12 =	sor.u32 $0x280, s0;
	v1 =	vld [tilespmem:s31+$0xC880];
	[tilespmem:s28+$0x130] =	vst v2  }
0xb5: {  	v2 =	vld [tilespmem:s12+$0xC880];
	s12 =	simm.s32 $0x1  }
0xb6: {  	s24 =	sor.u32 $0x280, s3;
	[tilespmem:s28+$0x180] =	vst v3;
	s12 =	simm.s32 @!p0 $0x0  }
0xb7: {  	s25 =	sor.u32 $0x280, s7;
	v3 =	vld [tilespmem:s24+$0xC880];
	[tilespmem:s28+$0x190] =	vst v4;
	s12 =	sshll.u32 s12, $0x6  }
0xb8: {  	s26 =	sor.u32 $0x280, s2;
	v4 =	vld [tilespmem:s25+$0xC880];
	[tilespmem:s28+$0x1A0] =	vst v5;
	s12 =	sadd.s32 s12, s23  }
0xb9: {  	s29 =	sor.u32 $0x300, s0;
	v5 =	vld [tilespmem:s26+$0xC880];
	[tilespmem:s28+$0x1B0] =	vst v6;
	s30 =	sor.u32 $0x200, s12;
	s24 =	sadd.s32 $0x10, s12  }
0xba: {  	s31 =	sor.u32 $0x300, s3;
	v6 =	vld [tilespmem:s29+$0xC880];
	[tilespmem:s30+$0x19080] =	vst v7;
	s25 =	sor.u32 $0x200, s24  }
0xbb: {  	s26 =	sor.u32 $0x300, s7;
	v7 =	vld [tilespmem:s31+$0xC880];
	[tilespmem:s25+$0x19080] =	vst v8;
	s25 =	sadd.s32 $0x20, s12  }
0xbc: {  	v8 =	vld [tilespmem:s26+$0xC880];
	s28 =	sor.u32 $0x200, s25;
	s26 =	sadd.s32 $0x30, s12  }
0xbd: {  	s29 =	sor.u32 $0x300, s2;
	[tilespmem:s28+$0x19080] =	vst v0;
	s30 =	sor.u32 $0x200, s26  }
0xbe: {  	s0 =	sor.u32 $0x380, s0;
	s31 =	sor.u32 $0x280, s12;
	v0 =	vld [tilespmem:s29+$0xC880];
	[tilespmem:s30+$0x19080] =	vst v1  }
0xbf: {  	s3 =	sor.u32 $0x380, s3;
	s9 =	sor.u32 $0x280, s24;
	v1 =	vld [tilespmem:s0+$0xC880];
	[tilespmem:s31+$0x19080] =	vst v2  }
0xc0: {  	s28 =	sor.u32 $0x380, s7;
	s29 =	sor.u32 $0x280, s25;
	v2 =	vld [tilespmem:s3+$0xC880];
	[tilespmem:s9+$0x19080] =	vst v3  }
0xc1: {  	s30 =	sor.u32 $0x380, s2;
	s31 =	sor.u32 $0x280, s26;
	v3 =	vld [tilespmem:s28+$0xC880];
	[tilespmem:s29+$0x19080] =	vst v4  }
0xc2: {  	s2 =	sor.u32 $0x300, s12;
	v4 =	vld [tilespmem:s30+$0xC880];
	[tilespmem:s31+$0x19080] =	vst v5  }
0xc3: {  	s3 =	sor.u32 $0x300, s24;
	[tilespmem:s2+$0x19080] =	vst v6  }
0xc4: {  	s7 =	sor.u32 $0x300, s25;
	[tilespmem:s3+$0x19080] =	vst v7  }
0xc5: {  	p1 =	sne.s32 s23, $0x6200;
	s9 =	sor.u32 $0x300, s26;
	[tilespmem:s7+$0x19080] =	vst v8  }
.Ltmp1:
0xc6: {  	s28 =	sor.u32 $0x380, s12;
	[tilespmem:s9+$0x19080] =	vst v0;
	(pc) =	sbr.rel @p1 .LBB2_5-.Ltmp1, $4  }
0xc7: {  	s29 =	sor.u32 $0x380, s24;
	[tilespmem:s28+$0x19080] =	vst v1  }
0xc8: {  	s30 =	sor.u32 $0x380, s25;
	[tilespmem:s29+$0x19080] =	vst v2  }
0xc9: {  	s22 =	sadd.s32 $0x40, s22;
	s31 =	sor.u32 $0x380, s26;
	[tilespmem:s30+$0x19080] =	vst v3  }
0xca: {  	s21 =	sadd.s32 $0x1, s21;
	p0 =	por !p0, !p0;
	s23 =	sadd.s32 $0x200, s23;
	[tilespmem:s31+$0x19080] =	vst v4  }
0xcb: {  	s19 =	sadd.s32 $0x1, s19  }
0xcc: {  	p0 =	sne.s32 s19, $0x20  }
.Ltmp2:
0xcd: {  	_ = 	snop;
	(pc) =	sbr.rel @p0 .LBB2_2-.Ltmp2, $3  }
0xce: {  	s0 =	smul.u32 $0xC80, s20;
	_ =	sdelay $0x1  }
0xcf: {  	s0 =	sadd.s32 s4, s0  }
0xd0: {  	[hbm4b:s0+s6] =	stream.linear.scatter [tilespmem:s15], [sflag:$0x3], $0x6400, $0x38;
	[tilespmem:$0x1F480] =	vst v63  }
0xd1: {  	_ =	swait.ge [sflag:s17], $0x6400  }
0xd2: {  	s18 =	sadd.s32 $0x1, s18;
	s0 =	rddreg [dreg:$0x5]  }
0xd3: {  	p0 =	sne.s32 s18, s0  }
.Ltmp3:
0xd4: {  	_ = 	snop;
	(pc) =	sbr.rel @p0 .LBB2_1-.Ltmp3, $3  }
0xd5: {  	_ =	sdelay $0x1  }
0xd6: {  	[sflag:s17] =	ssyncset.done $0x0  }
0xd7: {  	[sflag:s17] =	ssyncadd.s32 $0xFFFF9C00  }
0xd8: {  	_ =	sfence.sel $0x180000  }
0xd9: {  	[bflag:$0x0] =	sbarrier.arrive $0xFFFF  }
0xda: {  	_ =	strace $0x90000047  }
0xdb: {  	s0 =	stileid.u32;
	[bflag:$0x2] =	sbarrier.arrive $0xFFFF  }
0xdc: {  	p0 =	sne.s32 s0, $0x0;
	s0 =	rddreg [dreg:$0x3]  }
0xdd: {  	s0 =	sadd.s32 @!p0 $0x100000, s0  }
0xde: {  	[sflag:s0] =	ssyncadd.tile.s32 @!p0 $0x1;
	_ =	shalt  }
.Lfunc_end2:
_tile_overlayer_lowered:
.L_overlay_start_2:
0xdf: {  	(tag) =	ssettag $0x2  }
0xe0: {  	s0 =	rddreg [dreg:$0x0];
	s2 =	stileid.u32  }
0xe1: {  	s1 =	rddreg [dreg:$0x1];
	p0 =	sne.s32 s2, $0x0  }
0xe2: {  	s3 =	rddreg [dreg:$0x2];
	[bflag:$0x3] =	sbarrier.arrive $0xFFFF;
	s2 =	simm.s32 @!p0 $0x1C04  }
0xe3: {  	[timem:s3], [sflag:s2] =	dma.local @!p0 [hbm:s0], s1  }
0xe4: {  	s0 =	simm.s32 @!p0 $0x4  }
0xe5: {  	_ =	swait.ge @!p0 [sflag:s0], s1  }
0xe6: {  	s1 =	ssub.s32 @!p0 $0x0, s1;
	[sflag:s0] =	ssyncset.done @!p0 $0x0  }
0xe7: {  	[sflag:s0] =	ssyncadd.s32 @!p0 s1  }
0xe8: {  	[bflag:$0x3] =	sbarrier.arrive $0xFFFF  }
0xe9: {  	_ =	shalt  }

</sc_bundles>
